<compile_context>
chip_gen: v7x
topology: tpu7x:2x2x1
jax: 0.10.2.dev20260603
libtpu: 0.0.44.dev20260713+nightly
codegen_flags: <defaults>
</compile_context>

<pallas_src>
import functools
import jax
import jax.numpy as jnp
from jax import lax
from jax.experimental import pallas as pl
from jax.experimental.pallas import tpu as pltpu
from jax.experimental.pallas import tpu_sc as plsc

_NW = 32
_CHUNK = 128
_RPB = 504


def _repack_body(dist_ref, out_ref):
    d_b = dist_ref[0]
    gs = d_b.shape[0]
    pad_r = jnp.zeros((_RPB - gs, 128), jnp.float32)
    for k in range(4):
        lo = k * 128
        w = min(128, gs - lo)
        part = d_b[:, lo:lo + w]
        if w < 128:
            part = jnp.concatenate(
                [part, jnp.zeros((gs, 128 - w), jnp.float32)], axis=1)
        out_ref[k] = jnp.concatenate([part, pad_r], axis=0)


def _repack_dist(dist):
    bs, gs, _ = dist.shape
    return pl.pallas_call(
        _repack_body,
        grid=(bs,),
        in_specs=[pl.BlockSpec((1, gs, gs), lambda b: (b, 0, 0))],
        out_specs=pl.BlockSpec((4, _RPB, 128), lambda b: (0, b, 0)),
        out_shape=jax.ShapeDtypeStruct((4, bs * _RPB, 128), jnp.float32),
    )(dist)


def _ec_gather_body(dist_ref, ridx_ref, out_ref, idx_v, rows_v, sem, *,
                    nchunk):
    wid = lax.axis_index("s") * 2 + lax.axis_index("c")
    pltpu.sync_copy(ridx_ref.at[wid], idx_v)

    def chunk(c, _):
        pltpu.async_copy(dist_ref.at[idx_v.at[c]], rows_v, sem).wait()
        pltpu.sync_copy(rows_v, out_ref.at[wid, c])
        return 0

    lax.fori_loop(0, nchunk, chunk, 0)


def _ec_gather(dist128, ridx):
    nchunk = ridx.shape[1]
    mesh = plsc.VectorSubcoreMesh(core_axis_name="c", subcore_axis_name="s")
    f = pl.kernel(
        functools.partial(_ec_gather_body, nchunk=nchunk),
        mesh=mesh,
        out_type=jax.ShapeDtypeStruct((_NW, nchunk, _CHUNK, 128),
                                      jnp.float32),
        scratch_types=[
            pltpu.VMEM((nchunk, _CHUNK), jnp.int32),
            pltpu.VMEM((_CHUNK, 128), jnp.float32),
            pltpu.SemaphoreType.DMA,
        ],
    )
    return f(dist128, ridx)


def _gat_body(ne_ref, ecrows_ref, eclanes_ref, old_ref, solA_ref, nxtA_ref,
              solT_ref,
              nxtT_ref, costs_ref, wqT_ref, wkT_ref, m1w0_ref, m1w1_ref,
              m1b_ref, m2w_ref, m2b_ref, nhw_ref, wihT_ref, whhT_ref,
              bih_ref, bhh_ref, o1_ref, o2_ref, *, ns, nh, kd):
    ne = ne_ref[0]
    old = old_ref[0]
    gs, d = ne.shape

    q_all = jnp.dot(ne, wqT_ref[...], preferred_element_type=jnp.float32)
    k_all = jnp.dot(ne, wkT_ref[...], preferred_element_type=jnp.float32)

    col_j = lax.broadcasted_iota(jnp.int32, (gs, gs), 1)
    row_i = lax.broadcasted_iota(jnp.int32, (gs, gs), 0)

    att = jnp.zeros((gs, gs), jnp.float32)
    for i in range(ns):
        s_col = solT_ref[0][:, i:i + 1]
        n_col = nxtT_ref[0][:, i:i + 1]
        s_row = solA_ref[0][i:i + 1, :]
        n_row = nxtA_ref[0][i:i + 1, :]

        ps = (col_j == s_col).astype(jnp.float32)
        pn = (col_j == n_col).astype(jnp.float32)

        qg = jnp.dot(ps, q_all, preferred_element_type=jnp.float32)
        kg = jnp.dot(pn, k_all, preferred_element_type=jnp.float32)
        prod = qg * kg
        dph = prod.reshape(gs, nh, kd).sum(axis=-1) * (1.0 / kd)

        rows_i = ecrows_ref[0][i * gs:(i + 1) * gs, :]
        lane_i = eclanes_ref[0][:, i:i + 1]
        lane_oh = (lane_i == lax.broadcasted_iota(jnp.int32, (gs, 128), 1))
        ec = jnp.sum(rows_i * lane_oh.astype(jnp.float32),
                     axis=1, keepdims=True)

        h1 = jnp.maximum(
            dph[:, :, None] * m1w0_ref[...][None]
            + ec[:, :, None] * m1w1_ref[...][None]
            + m1b_ref[...][None], 0.0)
        mixed = jnp.sum(h1 * m2w_ref[...][None], axis=2) + m2b_ref[...]
        w_t = jnp.sum(mixed * nhw_ref[...], axis=1, keepdims=True)
        cost_i = w_t / costs_ref[0][0:1, i:i + 1]

        key_col = s_col * gs + n_col
        key_row = s_row * gs + n_row
        dupe = (key_col == key_row) & (col_j > row_i)
        loser = jnp.sum(dupe.astype(jnp.float32), axis=1, keepdims=True) > 0.0
        val = jnp.where(loser, 0.0, cost_i)

        pst = (row_i == s_row).astype(jnp.float32)
        att = att + jnp.dot(pst, val * pn, preferred_element_type=jnp.float32)

    neg = jnp.float32(-9000000000000000.0)
    att = jnp.where(att != 0.0, att, neg)
    att = jnp.where(row_i == col_j, neg, att)
    m = jnp.max(att, axis=1, keepdims=True)
    e = jnp.exp(att - m)
    attn = e / jnp.sum(e, axis=1, keepdims=True)

    se = jnp.dot(attn, ne, preferred_element_type=jnp.float32)
    gi = jnp.dot(se, wihT_ref[...], preferred_element_type=jnp.float32) \
        + bih_ref[...]
    gh = jnp.dot(old, whhT_ref[...], preferred_element_type=jnp.float32) \
        + bhh_ref[...]
    r = jax.nn.sigmoid(gi[:, :d] + gh[:, :d])
    z = jax.nn.sigmoid(gi[:, d:2 * d] + gh[:, d:2 * d])
    n = jnp.tanh(gi[:, 2 * d:] + r * gh[:, 2 * d:])
    hnew = (1.0 - z) * n + z * old
    o2_ref[0] = hnew
    o1_ref[0] = jnp.where(hnew > 0.0, hnew, jnp.exp(hnew) - 1.0)


def kernel(node_embed, solution, costs, dist, solution_embed_old, Wq, Wk,
           mix1_weight, mix1_bias, mix2_weight, mix2_bias, norm_head_w,
           gru_w_ih, gru_w_hh, gru_b_ih, gru_b_hh, interpret=False):
    bs, gs, d = node_embed.shape
    ns = solution.shape[0]
    nh = mix1_weight.shape[0]
    kd = d // nh

    solution = solution.astype(jnp.int32)
    nxt = jnp.concatenate([solution[:, :, 1:], solution[:, :, 0:1]], axis=-1)
    sol_a = jnp.transpose(solution, (1, 0, 2))
    nxt_a = jnp.transpose(nxt, (1, 0, 2))
    sol_t = jnp.transpose(solution, (1, 2, 0))
    nxt_t = jnp.transpose(nxt, (1, 2, 0))
    costs3 = jnp.transpose(costs)[:, None, :]

    epw = ns * gs
    epw_pad = ((epw + _CHUNK - 1) // _CHUNK) * _CHUNK
    nchunk = epw_pad // _CHUNK
    table = _repack_dist(dist).reshape(4 * bs * _RPB, 128)
    ridx = ((nxt_a >> 7) * (bs * _RPB)
            + (jnp.arange(bs, dtype=jnp.int32) * _RPB)[:, None, None]
            + sol_a)
    ridx = jnp.pad(ridx.reshape(bs, epw),
                   ((0, 0), (0, epw_pad - epw))).reshape(_NW, nchunk, _CHUNK)
    ec_rows = _ec_gather(table, ridx).reshape(bs, epw_pad, 128)
    ec_lanes = jnp.transpose(nxt_a & 127, (0, 2, 1))

    full = lambda *shape: pl.BlockSpec(shape, lambda b: (0,) * len(shape))
    grid_spec = pl.GridSpec(
        grid=(bs,),
        in_specs=[
            pl.BlockSpec((1, gs, d), lambda b: (b, 0, 0)),
            pl.BlockSpec((1, epw_pad, 128), lambda b: (b, 0, 0)),
            pl.BlockSpec((1, gs, ns), lambda b: (b, 0, 0)),
            pl.BlockSpec((1, gs, d), lambda b: (b, 0, 0)),
            pl.BlockSpec((1, ns, gs), lambda b: (b, 0, 0)),
            pl.BlockSpec((1, ns, gs), lambda b: (b, 0, 0)),
            pl.BlockSpec((1, gs, ns), lambda b: (b, 0, 0)),
            pl.BlockSpec((1, gs, ns), lambda b: (b, 0, 0)),
            pl.BlockSpec((1, 1, ns), lambda b: (b, 0, 0)),
            full(d, d), full(d, d),
            full(nh, 16), full(nh, 16), full(nh, 16),
            full(nh, 16), full(1, nh), full(1, nh),
            full(d, 3 * d), full(d, 3 * d),
            full(1, 3 * d), full(1, 3 * d),
        ],
        out_specs=[
            pl.BlockSpec((1, gs, d), lambda b: (b, 0, 0)),
            pl.BlockSpec((1, gs, d), lambda b: (b, 0, 0)),
        ],
    )
    out1, out2 = pl.pallas_call(
        functools.partial(_gat_body, ns=ns, nh=nh, kd=kd),
        grid_spec=grid_spec,
        out_shape=[
            jax.ShapeDtypeStruct((bs, gs, d), jnp.float32),
            jax.ShapeDtypeStruct((bs, gs, d), jnp.float32),
        ],
        interpret=interpret,
    )(node_embed, ec_rows, ec_lanes, solution_embed_old, sol_a, nxt_a,
      sol_t, nxt_t,
      costs3, Wq.T, Wk.T, mix1_weight[:, 0, :], mix1_weight[:, 1, :],
      mix1_bias, mix2_weight[:, :, 0], mix2_bias.T, norm_head_w,
      gru_w_ih.T, gru_w_hh.T, gru_b_ih[None, :], gru_b_hh[None, :])
    return (out1, out2)

# --- scband reference (transcript-rebuilt; emitter-appended) ---
"""Pipeline reference for scband-gat-solution-6511170421157 (READ-ONLY COPY).

The authoritative reference and input builder live on the scoring server;
editing this copy changes nothing except your own understanding.
"""

import jax, jax.numpy as jnp
import numpy as np
import math

EMBED_DIM = 128
N_HEADS = 8
MS_HIDDEN = 16
BS = 32
GS = 500
NS = 8


def setup_inputs(seed: int = 0) -> dict:
    key = jax.random.key(seed)
    ks = jax.random.split(key, 20)
    d = EMBED_DIM
    nh = N_HEADS
    inp = {}
    inp["node_embed"] = jax.random.normal(ks[0], (BS, GS, d), dtype=jnp.float32)
    inp["solution"] = jax.random.randint(ks[1], (NS, BS, GS), 0, GS)
    inp["costs"] = jax.random.uniform(ks[2], (NS, BS), dtype=jnp.float32)
    inp["dist"] = jax.random.uniform(ks[3], (BS, GS, GS), dtype=jnp.float32)
    inp["solution_embed_old"] = jax.random.normal(ks[4], (BS, GS, d), dtype=jnp.float32)
    b = 1.0 / math.sqrt(d)
    inp["Wq"] = jax.random.uniform(ks[5], (d, d), minval=-b, maxval=b, dtype=jnp.float32)
    inp["Wk"] = jax.random.uniform(ks[6], (d, d), minval=-b, maxval=b, dtype=jnp.float32)
    m1i = (1.0 / 2.0) ** 0.5
    m2i = (1.0 / 16.0) ** 0.5
    inp["mix1_weight"] = jax.random.uniform(ks[7], (nh, 2, MS_HIDDEN), minval=-m1i, maxval=m1i, dtype=jnp.float32)
    inp["mix1_bias"] = jax.random.uniform(ks[8], (nh, MS_HIDDEN), minval=-m1i, maxval=m1i, dtype=jnp.float32)
    inp["mix2_weight"] = jax.random.uniform(ks[9], (nh, MS_HIDDEN, 1), minval=-m2i, maxval=m2i, dtype=jnp.float32)
    inp["mix2_bias"] = jax.random.uniform(ks[10], (nh, 1), minval=-m2i, maxval=m2i, dtype=jnp.float32)
    bn = 1.0 / math.sqrt(nh)
    inp["norm_head_w"] = jax.random.uniform(ks[11], (1, nh), minval=-bn, maxval=bn, dtype=jnp.float32)
    bg = 1.0 / math.sqrt(d)
    inp["gru_w_ih"] = jax.random.uniform(ks[12], (3 * d, d), minval=-bg, maxval=bg, dtype=jnp.float32)
    inp["gru_w_hh"] = jax.random.uniform(ks[13], (3 * d, d), minval=-bg, maxval=bg, dtype=jnp.float32)
    inp["gru_b_ih"] = jax.random.uniform(ks[14], (3 * d,), minval=-bg, maxval=bg, dtype=jnp.float32)
    inp["gru_b_hh"] = jax.random.uniform(ks[15], (3 * d,), minval=-bg, maxval=bg, dtype=jnp.float32)
    return inp


def _forward(node_embed, costs, dist, solution_embed_old, Wq, Wk, m1w, m1b, m2w, m2b, nhw, wih, whh, bih, bhh, solution):
    ns, bs, sl = solution.shape
    gs = node_embed.shape[1]
    d = node_embed.shape[-1]
    nh = m1w.shape[0]
    kd = d // nh
    nxt = jnp.concatenate([solution[:, :, 1:], solution[:, :, 0:1]], axis=-1)
    arr = jnp.broadcast_to(node_embed[None], (ns, bs, gs, d))
    idx_s = jnp.broadcast_to(solution[..., None], (ns, bs, sl, d))
    idx_n = jnp.broadcast_to(nxt[..., None], (ns, bs, sl, d))
    emb_solu = jnp.take_along_axis(arr, idx_s, axis=2)
    emb_next = jnp.take_along_axis(arr, idx_n, axis=2)
    q = jnp.swapaxes((emb_solu @ Wq.T).reshape(ns, bs, sl, nh, kd), 2, 3)
    k = jnp.swapaxes((emb_next @ Wk.T).reshape(ns, bs, sl, nh, kd), 2, 3)
    b_idx = jnp.arange(bs)[None, :, None]
    edge_cost = dist[b_idx, solution, nxt]  # [ns, bs, sl]
    norm_factor = 1.0 / math.sqrt(kd)
    sqrt_qkv = kd ** 0.5
    dp = norm_factor * jnp.sum(q * k, axis=-1)  # [ns, bs, nh, sl]
    dps = dp / sqrt_qkv
    es = jnp.broadcast_to(edge_cost[:, :, None, :], dps.shape)
    two = jnp.stack([dps, es], axis=-1)  # [ns, bs, nh, sl, 2]
    two = jnp.swapaxes(two[:, :, :, :, None, :], 2, 3)  # [ns, bs, sl, nh, 1, 2]
    ms1 = jnp.matmul(two, m1w) + m1b[None, None, :, None, :]
    ms1 = jax.nn.relu(ms1)
    ms2 = jnp.matmul(ms1, m2w) + m2b[None, None, :, None, :]
    ms2 = jnp.swapaxes(ms2, 2, 3)  # [ns, bs, nh, sl, 1, 1]
    mixed = ms2[..., 0, 0]  # [ns, bs, nh, sl]
    weights = (jnp.swapaxes(mixed, -1, -2) @ nhw.T)[..., 0]  # [ns, bs, sl]
    cost = weights / costs[..., None]
    attention = jnp.zeros((bs, gs, gs), dtype=node_embed.dtype)
    b2 = jnp.broadcast_to(jnp.arange(bs)[:, None], (bs, sl))
    for i in range(ns):
        tmp = jnp.zeros((bs, gs, gs), dtype=node_embed.dtype).at[b2, solution[i], nxt[i]].set(cost[i])
        attention = attention + tmp
    neg = jnp.float32(-9000000000000000.0)
    attention = jnp.where(attention != 0.0, attention, neg)
    diag = jnp.arange(gs)
    attention = attention.at[:, diag, diag].set(neg)
    attn = jax.nn.softmax(attention, axis=-1)
    solution_embed = attn @ node_embed  # [bs, gs, d]
    x = solution_embed.reshape(bs * gs, d)
    h = solution_embed_old.reshape(bs * gs, d)
    gi = x @ wih.T + bih
    gh = h @ whh.T + bhh
    i_r, i_z, i_n = jnp.split(gi, 3, axis=-1)
    h_r, h_z, h_n = jnp.split(gh, 3, axis=-1)
    r = jax.nn.sigmoid(i_r + h_r)
    z = jax.nn.sigmoid(i_z + h_z)
    n = jnp.tanh(i_n + r * h_n)
    hnew = (1.0 - z) * n + z * h
    new = hnew.reshape(bs, gs, d)
    return (jax.nn.elu(new), new)


def reference(node_embed, solution, costs, dist, solution_embed_old, Wq, Wk, mix1_weight, mix1_bias, mix2_weight, mix2_bias, norm_head_w, gru_w_ih, gru_w_hh, gru_b_ih, gru_b_hh):
    return _forward(node_embed, costs, dist, solution_embed_old, Wq, Wk, mix1_weight, mix1_bias, mix2_weight, mix2_bias, norm_head_w, gru_w_ih, gru_w_hh, gru_b_ih, gru_b_hh, solution)

if __name__ == "__main__":
    import jax
    _d = setup_inputs()
    print(jax.jit(kernel)(*tuple(_d.values())))

</pallas_src>

<mosaic_0001>
#map = affine_map<(d0, d1) -> (0, 0)>
#map1 = affine_map<(d0, d1) -> (0, 0, 0)>
#map2 = affine_map<(d0, d1) -> (0, 0, 0, 0)>
module attributes {stable_mosaic.version = 14 : i64} {
  func.func @_ec_gather_body(%arg0: i32, %arg1: i32, %arg2: memref<64512x128xf32, #tpu.memory_space<hbm>>, %arg3: memref<32x32x128xi32, #tpu.memory_space<hbm>>, %arg4: memref<32x32x128x128xf32, #tpu.memory_space<hbm>>, %arg5: memref<32x128xi32, #tpu.memory_space<vmem>>, %arg6: memref<128x128xf32, #tpu.memory_space<vmem>>, %arg7: memref<!tpu.dma_semaphore, #tpu.memory_space<semaphore_mem>>) attributes {dimension_semantics = [#tpu.dimension_semantics<core_parallel>, #tpu.dimension_semantics<subcore_parallel>], iteration_bounds = array<i64: 2, 16>, scalar_prefetch = 0 : i64, scratch_operands = 3 : i64, tpu.core_type = #tpu.core_type<sc_vector_subcore>, window_params = [{transform_indices = #map}, {transform_indices = #map1}, {transform_indices = #map2}]} {
    %mul3A = arith.constant 2 : i32
    %mul3A_0 = arith.muli %arg1, %mul3A : i32
    %add3A = arith.addi %mul3A_0, %arg0 : i32
    "tpu.region"() ({
      %run_scoped3A = tpu.sem_alloc : memref<!tpu.dma_semaphore, #tpu.memory_space<semaphore_mem>>
      %dma_start3A = arith.constant 0 : i32
      %dma_start3A_7 = arith.constant 0 : i32
      %dma_start3A_8 = tpu.memref_slice %arg3[%add3A, %dma_start3A, %dma_start3A_7] : memref<32x32x128xi32, #tpu.memory_space<hbm>> -> memref<1x32x128xi32, #tpu.memory_space<hbm>>
      %dma_start3A_9 = tpu.memref_squeeze %dma_start3A_8 : memref<1x32x128xi32, #tpu.memory_space<hbm>> -> memref<32x128xi32, #tpu.memory_space<hbm>>
      %dma_start3A_10 = arith.constant 0 : i32
      %dma_start3A_11 = arith.constant 0 : i32
      %dma_start3A_12 = tpu.memref_slice %arg3[%add3A, %dma_start3A_10, %dma_start3A_11] : memref<32x32x128xi32, #tpu.memory_space<hbm>> -> memref<1x32x128xi32, #tpu.memory_space<hbm>>
      %dma_start3A_13 = tpu.memref_squeeze %dma_start3A_12 : memref<1x32x128xi32, #tpu.memory_space<hbm>> -> memref<32x128xi32, #tpu.memory_space<hbm>>
      tpu.enqueue_dma source(%dma_start3A_13 : memref<32x128xi32, #tpu.memory_space<hbm>>) target(%arg5 : memref<32x128xi32, #tpu.memory_space<vmem>>) target_semaphore(%run_scoped3A : memref<!tpu.dma_semaphore, #tpu.memory_space<semaphore_mem>>)
      %dma_wait3A = arith.constant 0 : i32
      %dma_wait3A_14 = arith.constant 0 : i32
      %dma_wait3A_15 = tpu.memref_slice %arg3[%add3A, %dma_wait3A, %dma_wait3A_14] : memref<32x32x128xi32, #tpu.memory_space<hbm>> -> memref<1x32x128xi32, #tpu.memory_space<hbm>>
      %dma_wait3A_16 = tpu.memref_squeeze %dma_wait3A_15 : memref<1x32x128xi32, #tpu.memory_space<hbm>> -> memref<32x128xi32, #tpu.memory_space<hbm>>
      %dma_wait3A_17 = arith.constant 0 : i32
      %dma_wait3A_18 = arith.constant 0 : i32
      %dma_wait3A_19 = tpu.memref_slice %arg3[%add3A, %dma_wait3A_17, %dma_wait3A_18] : memref<32x32x128xi32, #tpu.memory_space<hbm>> -> memref<1x32x128xi32, #tpu.memory_space<hbm>>
      %dma_wait3A_20 = tpu.memref_squeeze %dma_wait3A_19 : memref<1x32x128xi32, #tpu.memory_space<hbm>> -> memref<32x128xi32, #tpu.memory_space<hbm>>
      tpu.wait_dma2 semaphore(%run_scoped3A : memref<!tpu.dma_semaphore, #tpu.memory_space<semaphore_mem>>) src(%dma_wait3A_20 : memref<32x128xi32, #tpu.memory_space<hbm>>) dst(%arg5 : memref<32x128xi32, #tpu.memory_space<vmem>>)
      tpu.yield
    }) : () -> ()
    %scan3A = arith.constant 0 : i32
    %scan3A_1 = arith.constant 0 : i32
    %scan3A_2 = arith.constant 32 : i32
    %scan3A_3 = arith.addi %scan3A_1, %scan3A_2 : i32
    %scan3A_4 = arith.constant 1 : i32
    %scan3A_5 = scf.for %scan3A_7 = %scan3A_1 to %scan3A_3 step %scan3A_4 iter_args(%scan3A_8 = %scan3A) -> (i32)  : i32 {
      %dma_start3A = arith.constant 0 : i32
      %dma_start3A_9 = tpu.memref_slice %arg5[%scan3A_7, %dma_start3A] : memref<32x128xi32, #tpu.memory_space<vmem>> -> memref<1x128xi32, #tpu.memory_space<vmem>>
      %dma_start3A_10 = tpu.memref_squeeze %dma_start3A_9 : memref<1x128xi32, #tpu.memory_space<vmem>> -> memref<128xi32, #tpu.memory_space<vmem>>
      %dma_start3A_11 = arith.constant 0 : i32
      %dma_start3A_12 = arith.constant 0 : i32
      %dma_start3A_13 = tpu.memref_slice %arg2[%dma_start3A_11, %dma_start3A_12] : memref<64512x128xf32, #tpu.memory_space<hbm>> -> memref<64512x128xf32, #tpu.memory_space<hbm>>
      tpu.enqueue_indirect_dma source(%dma_start3A_13 : memref<64512x128xf32, #tpu.memory_space<hbm>>) target(%arg6 : memref<128x128xf32, #tpu.memory_space<vmem>>) offsets(%dma_start3A_10 : memref<128xi32, #tpu.memory_space<vmem>>) semaphore(%arg7 : memref<!tpu.dma_semaphore, #tpu.memory_space<semaphore_mem>>)
      %dma_wait3A = arith.constant 0 : i32
      %dma_wait3A_14 = tpu.memref_slice %arg5[%scan3A_7, %dma_wait3A] : memref<32x128xi32, #tpu.memory_space<vmem>> -> memref<1x128xi32, #tpu.memory_space<vmem>>
      %dma_wait3A_15 = tpu.memref_squeeze %dma_wait3A_14 : memref<1x128xi32, #tpu.memory_space<vmem>> -> memref<128xi32, #tpu.memory_space<vmem>>
      %dma_wait3A_16 = arith.constant 0 : i32
      %dma_wait3A_17 = arith.constant 0 : i32
      %dma_wait3A_18 = tpu.memref_slice %arg2[%dma_wait3A_16, %dma_wait3A_17] : memref<64512x128xf32, #tpu.memory_space<hbm>> -> memref<64512x128xf32, #tpu.memory_space<hbm>>
      tpu.wait_indirect_dma semaphore(%arg7 : memref<!tpu.dma_semaphore, #tpu.memory_space<semaphore_mem>>) src(%dma_wait3A_18 : memref<64512x128xf32, #tpu.memory_space<hbm>>) dst(%arg6 : memref<128x128xf32, #tpu.memory_space<vmem>>)
      "tpu.region"() ({
        %run_scoped3A = tpu.sem_alloc : memref<!tpu.dma_semaphore, #tpu.memory_space<semaphore_mem>>
        %dma_start3A_20 = arith.constant 0 : i32
        %dma_start3A_21 = arith.constant 0 : i32
        %dma_start3A_22 = tpu.memref_slice %arg4[%add3A, %scan3A_7, %dma_start3A_20, %dma_start3A_21] : memref<32x32x128x128xf32, #tpu.memory_space<hbm>> -> memref<1x1x128x128xf32, #tpu.memory_space<hbm>>
        %dma_start3A_23 = tpu.memref_squeeze %dma_start3A_22 : memref<1x1x128x128xf32, #tpu.memory_space<hbm>> -> memref<128x128xf32, #tpu.memory_space<hbm>>
        %dma_start3A_24 = arith.constant 0 : i32
        %dma_start3A_25 = arith.constant 0 : i32
        %dma_start3A_26 = tpu.memref_slice %arg4[%add3A, %scan3A_7, %dma_start3A_24, %dma_start3A_25] : memref<32x32x128x128xf32, #tpu.memory_space<hbm>> -> memref<1x1x128x128xf32, #tpu.memory_space<hbm>>
        %dma_start3A_27 = tpu.memref_squeeze %dma_start3A_26 : memref<1x1x128x128xf32, #tpu.memory_space<hbm>> -> memref<128x128xf32, #tpu.memory_space<hbm>>
        tpu.enqueue_dma source(%arg6 : memref<128x128xf32, #tpu.memory_space<vmem>>) target(%dma_start3A_27 : memref<128x128xf32, #tpu.memory_space<hbm>>) target_semaphore(%run_scoped3A : memref<!tpu.dma_semaphore, #tpu.memory_space<semaphore_mem>>)
        %dma_wait3A_28 = arith.constant 0 : i32
        %dma_wait3A_29 = arith.constant 0 : i32
        %dma_wait3A_30 = tpu.memref_slice %arg4[%add3A, %scan3A_7, %dma_wait3A_28, %dma_wait3A_29] : memref<32x32x128x128xf32, #tpu.memory_space<hbm>> -> memref<1x1x128x128xf32, #tpu.memory_space<hbm>>
        %dma_wait3A_31 = tpu.memref_squeeze %dma_wait3A_30 : memref<1x1x128x128xf32, #tpu.memory_space<hbm>> -> memref<128x128xf32, #tpu.memory_space<hbm>>
        %dma_wait3A_32 = arith.constant 0 : i32
        %dma_wait3A_33 = arith.constant 0 : i32
        %dma_wait3A_34 = tpu.memref_slice %arg4[%add3A, %scan3A_7, %dma_wait3A_32, %dma_wait3A_33] : memref<32x32x128x128xf32, #tpu.memory_space<hbm>> -> memref<1x1x128x128xf32, #tpu.memory_space<hbm>>
        %dma_wait3A_35 = tpu.memref_squeeze %dma_wait3A_34 : memref<1x1x128x128xf32, #tpu.memory_space<hbm>> -> memref<128x128xf32, #tpu.memory_space<hbm>>
        tpu.wait_dma2 semaphore(%run_scoped3A : memref<!tpu.dma_semaphore, #tpu.memory_space<semaphore_mem>>) src(%arg6 : memref<128x128xf32, #tpu.memory_space<vmem>>) dst(%dma_wait3A_35 : memref<128x128xf32, #tpu.memory_space<hbm>>)
        tpu.yield
      }) : () -> ()
      %scan3A_19 = arith.constant 0 : i32
      scf.yield %scan3A_19 : i32
    }
    %scan3A_6 = arith.constant 32 : i32
    return
  }
}

module attributes {stable_mosaic.version = 14 : i64} {
  func.func @_repack_body(%arg0: i32, %arg1: memref<1x500x500xf32, #tpu.memory_space<vmem>>, %arg2: memref<4x504x128xf32, #tpu.memory_space<vmem>>) attributes {dimension_semantics = [#tpu.dimension_semantics<arbitrary>], iteration_bounds = array<i64: 32>, scalar_prefetch = 0 : i64, scratch_operands = 0 : i64, tpu.core_type = #tpu.core_type<tc>, window_params = [{transform_indices = @transform_0, window_bounds = array<i64: 1, 500, 500>}, {transform_indices = @transform_1, window_bounds = array<i64: 4, 504, 128>}]} {
    %get3A = arith.constant 0 : index
    %get3A_0 = arith.constant 0 : index
    %get3A_1 = arith.constant 0 : index
    %get3A_2 = vector.load %arg1[%get3A, %get3A_0, %get3A_1] : memref<1x500x500xf32, #tpu.memory_space<vmem>>, vector<1x500x500xf32>
    %get3A_3 = vector.shape_cast %get3A_2 : vector<1x500x500xf32> to vector<500x500xf32>
    %broadcast_in_dim3A = arith.constant 0.000000e+00 : f32
    %broadcast_in_dim3A_4 = vector.broadcast %broadcast_in_dim3A : f32 to vector<4x128xf32>
    %slice3A = vector.extract_strided_slice %get3A_3 {offsets = [0, 0], sizes = [500, 128], strides = [1, 1]} : vector<500x500xf32> to vector<500x128xf32>
    %concatenate3A = tpu.concatenate %slice3A, %broadcast_in_dim3A_4 in 0 : vector<500x128xf32>, vector<4x128xf32> -> vector<504x128xf32>
    %swap3A = arith.constant 0 : index
    %swap3A_5 = arith.constant 0 : index
    %swap3A_6 = arith.constant 0 : index
    %swap3A_7 = vector.load %arg2[%swap3A, %swap3A_5, %swap3A_6] : memref<4x504x128xf32, #tpu.memory_space<vmem>>, vector<1x504x128xf32>
    %swap3A_8 = vector.shape_cast %swap3A_7 : vector<1x504x128xf32> to vector<504x128xf32>
    %swap3A_9 = vector.shape_cast %concatenate3A : vector<504x128xf32> to vector<1x504x128xf32>
    tpu.vector_store %arg2[%swap3A, %swap3A_5, %swap3A_6], %swap3A_9 {strides = array<i32>} : memref<4x504x128xf32, #tpu.memory_space<vmem>>, vector<1x504x128xf32>,
    %slice3A_10 = vector.extract_strided_slice %get3A_3 {offsets = [0, 128], sizes = [500, 128], strides = [1, 1]} : vector<500x500xf32> to vector<500x128xf32>
    %concatenate3A_11 = tpu.concatenate %slice3A_10, %broadcast_in_dim3A_4 in 0 : vector<500x128xf32>, vector<4x128xf32> -> vector<504x128xf32>
    %swap3A_12 = arith.constant 1 : index
    %swap3A_13 = arith.constant 0 : index
    %swap3A_14 = arith.constant 0 : index
    %swap3A_15 = vector.load %arg2[%swap3A_12, %swap3A_13, %swap3A_14] : memref<4x504x128xf32, #tpu.memory_space<vmem>>, vector<1x504x128xf32>
    %swap3A_16 = vector.shape_cast %swap3A_15 : vector<1x504x128xf32> to vector<504x128xf32>
    %swap3A_17 = vector.shape_cast %concatenate3A_11 : vector<504x128xf32> to vector<1x504x128xf32>
    tpu.vector_store %arg2[%swap3A_12, %swap3A_13, %swap3A_14], %swap3A_17 {strides = array<i32>} : memref<4x504x128xf32, #tpu.memory_space<vmem>>, vector<1x504x128xf32>,
    %slice3A_18 = vector.extract_strided_slice %get3A_3 {offsets = [0, 256], sizes = [500, 128], strides = [1, 1]} : vector<500x500xf32> to vector<500x128xf32>
    %concatenate3A_19 = tpu.concatenate %slice3A_18, %broadcast_in_dim3A_4 in 0 : vector<500x128xf32>, vector<4x128xf32> -> vector<504x128xf32>
    %swap3A_20 = arith.constant 2 : index
    %swap3A_21 = arith.constant 0 : index
    %swap3A_22 = arith.constant 0 : index
    %swap3A_23 = vector.load %arg2[%swap3A_20, %swap3A_21, %swap3A_22] : memref<4x504x128xf32, #tpu.memory_space<vmem>>, vector<1x504x128xf32>
    %swap3A_24 = vector.shape_cast %swap3A_23 : vector<1x504x128xf32> to vector<504x128xf32>
    %swap3A_25 = vector.shape_cast %concatenate3A_19 : vector<504x128xf32> to vector<1x504x128xf32>
    tpu.vector_store %arg2[%swap3A_20, %swap3A_21, %swap3A_22], %swap3A_25 {strides = array<i32>} : memref<4x504x128xf32, #tpu.memory_space<vmem>>, vector<1x504x128xf32>,
    %slice3A_26 = vector.extract_strided_slice %get3A_3 {offsets = [0, 384], sizes = [500, 116], strides = [1, 1]} : vector<500x500xf32> to vector<500x116xf32>
    %broadcast_in_dim3A_27 = arith.constant 0.000000e+00 : f32
    %broadcast_in_dim3A_28 = vector.broadcast %broadcast_in_dim3A_27 : f32 to vector<500x12xf32>
    %concatenate3A_29 = tpu.concatenate %slice3A_26, %broadcast_in_dim3A_28 in 1 : vector<500x116xf32>, vector<500x12xf32> -> vector<500x128xf32>
    %concatenate3A_30 = tpu.concatenate %concatenate3A_29, %broadcast_in_dim3A_4 in 0 : vector<500x128xf32>, vector<4x128xf32> -> vector<504x128xf32>
    %swap3A_31 = arith.constant 3 : index
    %swap3A_32 = arith.constant 0 : index
    %swap3A_33 = arith.constant 0 : index
    %swap3A_34 = vector.load %arg2[%swap3A_31, %swap3A_32, %swap3A_33] : memref<4x504x128xf32, #tpu.memory_space<vmem>>, vector<1x504x128xf32>
    %swap3A_35 = vector.shape_cast %swap3A_34 : vector<1x504x128xf32> to vector<504x128xf32>
    %swap3A_36 = vector.shape_cast %concatenate3A_30 : vector<504x128xf32> to vector<1x504x128xf32>
    tpu.vector_store %arg2[%swap3A_31, %swap3A_32, %swap3A_33], %swap3A_36 {strides = array<i32>} : memref<4x504x128xf32, #tpu.memory_space<vmem>>, vector<1x504x128xf32>,
    return
  }
  func.func @transform_0(%arg0: i32) -> (i32, i32, i32) {
    %c0_i32 = arith.constant 0 : i32
    %c0_i32_0 = arith.constant 0 : i32
    %c0_i32_1 = arith.constant 0 : i32
    return %arg0, %c0_i32, %c0_i32_0 : i32, i32, i32
  }
  func.func @transform_1(%arg0: i32) -> (i32, i32, i32) {
    %c0_i32 = arith.constant 0 : i32
    %c0_i32_0 = arith.constant 0 : i32
    %c0_i32_1 = arith.constant 0 : i32
    return %c0_i32, %arg0, %c0_i32_0 : i32, i32, i32
  }
}

module attributes {stable_mosaic.version = 14 : i64} {
  func.func @_gat_body(%arg0: i32, %arg1: memref<1x500x128xf32, #tpu.memory_space<vmem>>, %arg2: memref<1x4096x128xf32, #tpu.memory_space<vmem>>, %arg3: memref<1x500x8xi32, #tpu.memory_space<vmem>>, %arg4: memref<1x500x128xf32, #tpu.memory_space<vmem>>, %arg5: memref<1x8x500xi32, #tpu.memory_space<vmem>>, %arg6: memref<1x8x500xi32, #tpu.memory_space<vmem>>, %arg7: memref<1x500x8xi32, #tpu.memory_space<vmem>>, %arg8: memref<1x500x8xi32, #tpu.memory_space<vmem>>, %arg9: memref<1x1x8xf32, #tpu.memory_space<vmem>>, %arg10: memref<128x128xf32, #tpu.memory_space<vmem>>, %arg11: memref<128x128xf32, #tpu.memory_space<vmem>>, %arg12: memref<8x16xf32, #tpu.memory_space<vmem>>, %arg13: memref<8x16xf32, #tpu.memory_space<vmem>>, %arg14: memref<8x16xf32, #tpu.memory_space<vmem>>, %arg15: memref<8x16xf32, #tpu.memory_space<vmem>>, %arg16: memref<1x8xf32, #tpu.memory_space<vmem>>, %arg17: memref<1x8xf32, #tpu.memory_space<vmem>>, %arg18: memref<128x384xf32, #tpu.memory_space<vmem>>, %arg19: memref<128x384xf32, #tpu.memory_space<vmem>>, %arg20: memref<1x384xf32, #tpu.memory_space<vmem>>, %arg21: memref<1x384xf32, #tpu.memory_space<vmem>>, %arg22: memref<1x500x128xf32, #tpu.memory_space<vmem>>, %arg23: memref<1x500x128xf32, #tpu.memory_space<vmem>>) attributes {dimension_semantics = [#tpu.dimension_semantics<arbitrary>], iteration_bounds = array<i64: 32>, scalar_prefetch = 0 : i64, scratch_operands = 0 : i64, tpu.core_type = #tpu.core_type<tc>, window_params = [{transform_indices = @transform_0, window_bounds = array<i64: 1, 500, 128>}, {transform_indices = @transform_1, window_bounds = array<i64: 1, 4096, 128>}, {transform_indices = @transform_2, window_bounds = array<i64: 1, 500, 8>}, {transform_indices = @transform_3, window_bounds = array<i64: 1, 500, 128>}, {transform_indices = @transform_4, window_bounds = array<i64: 1, 8, 500>}, {transform_indices = @transform_5, window_bounds = array<i64: 1, 8, 500>}, {transform_indices = @transform_6, window_bounds = array<i64: 1, 500, 8>}, {transform_indices = @transform_7, window_bounds = array<i64: 1, 500, 8>}, {transform_indices = @transform_8, window_bounds = array<i64: 1, 1, 8>}, {pipeline_mode = #tpu.pipeline_mode<synchronous>, transform_indices = @transform_9, window_bounds = array<i64: 128, 128>}, {pipeline_mode = #tpu.pipeline_mode<synchronous>, transform_indices = @transform_10, window_bounds = array<i64: 128, 128>}, {pipeline_mode = #tpu.pipeline_mode<synchronous>, transform_indices = @transform_11, window_bounds = array<i64: 8, 16>}, {pipeline_mode = #tpu.pipeline_mode<synchronous>, transform_indices = @transform_12, window_bounds = array<i64: 8, 16>}, {pipeline_mode = #tpu.pipeline_mode<synchronous>, transform_indices = @transform_13, window_bounds = array<i64: 8, 16>}, {pipeline_mode = #tpu.pipeline_mode<synchronous>, transform_indices = @transform_14, window_bounds = array<i64: 8, 16>}, {pipeline_mode = #tpu.pipeline_mode<synchronous>, transform_indices = @transform_15, window_bounds = array<i64: 1, 8>}, {pipeline_mode = #tpu.pipeline_mode<synchronous>, transform_indices = @transform_16, window_bounds = array<i64: 1, 8>}, {pipeline_mode = #tpu.pipeline_mode<synchronous>, transform_indices = @transform_17, window_bounds = array<i64: 128, 384>}, {pipeline_mode = #tpu.pipeline_mode<synchronous>, transform_indices = @transform_18, window_bounds = array<i64: 128, 384>}, {pipeline_mode = #tpu.pipeline_mode<synchronous>, transform_indices = @transform_19, window_bounds = array<i64: 1, 384>}, {pipeline_mode = #tpu.pipeline_mode<synchronous>, transform_indices = @transform_20, window_bounds = array<i64: 1, 384>}, {transform_indices = @transform_21, window_bounds = array<i64: 1, 500, 128>}, {transform_indices = @transform_22, window_bounds = array<i64: 1, 500, 128>}]} {
    %get3A = arith.constant 0 : index
    %get3A_0 = arith.constant 0 : index
    %get3A_1 = arith.constant 0 : index
    %get3A_2 = vector.load %arg1[%get3A, %get3A_0, %get3A_1] : memref<1x500x128xf32, #tpu.memory_space<vmem>>, vector<1x500x128xf32>
    %get3A_3 = vector.shape_cast %get3A_2 : vector<1x500x128xf32> to vector<500x128xf32>
    %get3A_4 = arith.constant 0 : index
    %get3A_5 = arith.constant 0 : index
    %get3A_6 = arith.constant 0 : index
    %get3A_7 = vector.load %arg4[%get3A_4, %get3A_5, %get3A_6] : memref<1x500x128xf32, #tpu.memory_space<vmem>>, vector<1x500x128xf32>
    %get3A_8 = vector.shape_cast %get3A_7 : vector<1x500x128xf32> to vector<500x128xf32>
    %get3A_9 = arith.constant 0 : index
    %get3A_10 = arith.constant 0 : index
    %get3A_11 = vector.load %arg10[%get3A_9, %get3A_10] : memref<128x128xf32, #tpu.memory_space<vmem>>, vector<128x128xf32>
    %dot_general3A = arith.constant dense<0.000000e+00> : vector<500x128xf32>
    %dot_general3A_12 = tpu.matmul %get3A_3, %get3A_11, %dot_general3A {dimension_numbers = #tpu.dot_dimension_numbers<[1], [0], [0], [1], [0, 0, 1, 1], [], []>, transpose_lhs_hint = false} : vector<500x128xf32>, vector<128x128xf32>, vector<500x128xf32> -> vector<500x128xf32>
    %get3A_13 = arith.constant 0 : index
    %get3A_14 = arith.constant 0 : index
    %get3A_15 = vector.load %arg11[%get3A_13, %get3A_14] : memref<128x128xf32, #tpu.memory_space<vmem>>, vector<128x128xf32>
    %dot_general3A_16 = arith.constant dense<0.000000e+00> : vector<500x128xf32>
    %dot_general3A_17 = tpu.matmul %get3A_3, %get3A_15, %dot_general3A_16 {dimension_numbers = #tpu.dot_dimension_numbers<[1], [0], [0], [1], [0, 0, 1, 1], [], []>, transpose_lhs_hint = false} : vector<500x128xf32>, vector<128x128xf32>, vector<500x128xf32> -> vector<500x128xf32>
    %iota3A = tpu.iota {dimensions = array<i32: 1>} : vector<500x500xi32>
    %iota3A_18 = tpu.iota {dimensions = array<i32: 0>} : vector<500x500xi32>
    %broadcast_in_dim3A = arith.constant 0.000000e+00 : f32
    %broadcast_in_dim3A_19 = vector.broadcast %broadcast_in_dim3A : f32 to vector<500x500xf32>
    %get3A_20 = arith.constant 0 : index
    %get3A_21 = arith.constant 0 : index
    %get3A_22 = arith.constant 0 : index
    %get3A_23 = vector.load %arg7[%get3A_20, %get3A_21, %get3A_22] : memref<1x500x8xi32, #tpu.memory_space<vmem>>, vector<1x500x8xi32>
    %get3A_24 = vector.shape_cast %get3A_23 : vector<1x500x8xi32> to vector<500x8xi32>
    %slice3A = vector.extract_strided_slice %get3A_24 {offsets = [0, 0], sizes = [500, 1], strides = [1, 1]} : vector<500x8xi32> to vector<500x1xi32>
    %get3A_25 = arith.constant 0 : index
    %get3A_26 = arith.constant 0 : index
    %get3A_27 = arith.constant 0 : index
    %get3A_28 = vector.load %arg8[%get3A_25, %get3A_26, %get3A_27] : memref<1x500x8xi32, #tpu.memory_space<vmem>>, vector<1x500x8xi32>
    %get3A_29 = vector.shape_cast %get3A_28 : vector<1x500x8xi32> to vector<500x8xi32>
    %slice3A_30 = vector.extract_strided_slice %get3A_29 {offsets = [0, 0], sizes = [500, 1], strides = [1, 1]} : vector<500x8xi32> to vector<500x1xi32>
    %get3A_31 = arith.constant 0 : index
    %get3A_32 = arith.constant 0 : index
    %get3A_33 = arith.constant 0 : index
    %get3A_34 = vector.load %arg5[%get3A_31, %get3A_32, %get3A_33] : memref<1x8x500xi32, #tpu.memory_space<vmem>>, vector<1x8x500xi32>
    %get3A_35 = vector.shape_cast %get3A_34 : vector<1x8x500xi32> to vector<8x500xi32>
    %slice3A_36 = vector.extract_strided_slice %get3A_35 {offsets = [0, 0], sizes = [1, 500], strides = [1, 1]} : vector<8x500xi32> to vector<1x500xi32>
    %get3A_37 = arith.constant 0 : index
    %get3A_38 = arith.constant 0 : index
    %get3A_39 = arith.constant 0 : index
    %get3A_40 = vector.load %arg6[%get3A_37, %get3A_38, %get3A_39] : memref<1x8x500xi32, #tpu.memory_space<vmem>>, vector<1x8x500xi32>
    %get3A_41 = vector.shape_cast %get3A_40 : vector<1x8x500xi32> to vector<8x500xi32>
    %slice3A_42 = vector.extract_strided_slice %get3A_41 {offsets = [0, 0], sizes = [1, 500], strides = [1, 1]} : vector<8x500xi32> to vector<1x500xi32>
    %eq3A = vector.broadcast %slice3A : vector<500x1xi32> to vector<500x500xi32>
    %eq3A_43 = arith.cmpi eq, %iota3A, %eq3A : vector<500x500xi32>
    %convert_element_type3A = arith.extui %eq3A_43 : vector<500x500xi1> to vector<500x500xi32>
    %convert_element_type3A_44 = arith.sitofp %convert_element_type3A : vector<500x500xi32> to vector<500x500xf32>
    %eq3A_45 = vector.broadcast %slice3A_30 : vector<500x1xi32> to vector<500x500xi32>
    %eq3A_46 = arith.cmpi eq, %iota3A, %eq3A_45 : vector<500x500xi32>
    %convert_element_type3A_47 = arith.extui %eq3A_46 : vector<500x500xi1> to vector<500x500xi32>
    %convert_element_type3A_48 = arith.sitofp %convert_element_type3A_47 : vector<500x500xi32> to vector<500x500xf32>
    %dot_general3A_49 = arith.constant dense<0.000000e+00> : vector<500x128xf32>
    %dot_general3A_50 = tpu.matmul %convert_element_type3A_44, %dot_general3A_12, %dot_general3A_49 {dimension_numbers = #tpu.dot_dimension_numbers<[1], [0], [0], [1], [0, 0, 1, 1], [], []>, transpose_lhs_hint = false} : vector<500x500xf32>, vector<500x128xf32>, vector<500x128xf32> -> vector<500x128xf32>
    %dot_general3A_51 = arith.constant dense<0.000000e+00> : vector<500x128xf32>
    %dot_general3A_52 = tpu.matmul %convert_element_type3A_48, %dot_general3A_17, %dot_general3A_51 {dimension_numbers = #tpu.dot_dimension_numbers<[1], [0], [0], [1], [0, 0, 1, 1], [], []>, transpose_lhs_hint = false} : vector<500x500xf32>, vector<500x128xf32>, vector<500x128xf32> -> vector<500x128xf32>
    %mul3A = arith.mulf %dot_general3A_50, %dot_general3A_52 : vector<500x128xf32>
    %reshape3A = vector.shape_cast %mul3A : vector<500x128xf32> to vector<500x8x16xf32>
    %reduce_sum3A = arith.constant dense<0.000000e+00> : vector<500x8xf32>
    %reduce_sum3A_53 = vector.multi_reduction <add>, %reshape3A, %reduce_sum3A [2] : vector<500x8x16xf32> to vector<500x8xf32>
    %mul3A_54 = arith.constant 6.250000e-02 : f32
    %mul3A_55 = vector.broadcast %mul3A_54 : f32 to vector<500x8xf32>
    %mul3A_56 = arith.mulf %reduce_sum3A_53, %mul3A_55 : vector<500x8xf32>
    %get3A_57 = arith.constant 0 : index
    %get3A_58 = arith.constant 0 : index
    %get3A_59 = arith.constant 0 : index
    %get3A_60 = vector.load %arg2[%get3A_57, %get3A_58, %get3A_59] : memref<1x4096x128xf32, #tpu.memory_space<vmem>>, vector<1x4096x128xf32>
    %get3A_61 = vector.shape_cast %get3A_60 : vector<1x4096x128xf32> to vector<4096x128xf32>
    %slice3A_62 = vector.extract_strided_slice %get3A_61 {offsets = [0, 0], sizes = [500, 128], strides = [1, 1]} : vector<4096x128xf32> to vector<500x128xf32>
    %get3A_63 = arith.constant 0 : index
    %get3A_64 = arith.constant 0 : index
    %get3A_65 = arith.constant 0 : index
    %get3A_66 = vector.load %arg3[%get3A_63, %get3A_64, %get3A_65] : memref<1x500x8xi32, #tpu.memory_space<vmem>>, vector<1x500x8xi32>
    %get3A_67 = vector.shape_cast %get3A_66 : vector<1x500x8xi32> to vector<500x8xi32>
    %slice3A_68 = vector.extract_strided_slice %get3A_67 {offsets = [0, 0], sizes = [500, 1], strides = [1, 1]} : vector<500x8xi32> to vector<500x1xi32>
    %iota3A_69 = tpu.iota {dimensions = array<i32: 1>} : vector<500x128xi32>
    %eq3A_70 = vector.broadcast %slice3A_68 : vector<500x1xi32> to vector<500x128xi32>
    %eq3A_71 = arith.cmpi eq, %eq3A_70, %iota3A_69 : vector<500x128xi32>
    %convert_element_type3A_72 = arith.extui %eq3A_71 : vector<500x128xi1> to vector<500x128xi32>
    %convert_element_type3A_73 = arith.sitofp %convert_element_type3A_72 : vector<500x128xi32> to vector<500x128xf32>
    %mul3A_74 = arith.mulf %slice3A_62, %convert_element_type3A_73 : vector<500x128xf32>
    %reduce_sum3A_75 = arith.constant dense<0.000000e+00> : vector<500xf32>
    %reduce_sum3A_76 = vector.multi_reduction <add>, %mul3A_74, %reduce_sum3A_75 [1] : vector<500x128xf32> to vector<500xf32>
    %broadcast_in_dim3A_77 = vector.shape_cast %reduce_sum3A_76 : vector<500xf32> to vector<500x1xf32>
    %broadcast_in_dim3A_78 = vector.shape_cast %mul3A_56 : vector<500x8xf32> to vector<500x8x1xf32>
    %get3A_79 = arith.constant 0 : index
    %get3A_80 = arith.constant 0 : index
    %get3A_81 = vector.load %arg12[%get3A_79, %get3A_80] : memref<8x16xf32, #tpu.memory_space<vmem>>, vector<8x16xf32>
    %broadcast_in_dim3A_82 = vector.shape_cast %get3A_81 : vector<8x16xf32> to vector<1x8x16xf32>
    %mul3A_83 = vector.broadcast %broadcast_in_dim3A_78 : vector<500x8x1xf32> to vector<500x8x16xf32>
    %mul3A_84 = vector.broadcast %broadcast_in_dim3A_82 : vector<1x8x16xf32> to vector<500x8x16xf32>
    %mul3A_85 = arith.mulf %mul3A_83, %mul3A_84 : vector<500x8x16xf32>
    %broadcast_in_dim3A_86 = vector.shape_cast %broadcast_in_dim3A_77 : vector<500x1xf32> to vector<500x1x1xf32>
    %get3A_87 = arith.constant 0 : index
    %get3A_88 = arith.constant 0 : index
    %get3A_89 = vector.load %arg13[%get3A_87, %get3A_88] : memref<8x16xf32, #tpu.memory_space<vmem>>, vector<8x16xf32>
    %broadcast_in_dim3A_90 = vector.shape_cast %get3A_89 : vector<8x16xf32> to vector<1x8x16xf32>
    %mul3A_91 = vector.broadcast %broadcast_in_dim3A_86 : vector<500x1x1xf32> to vector<500x8x16xf32>
    %mul3A_92 = vector.broadcast %broadcast_in_dim3A_90 : vector<1x8x16xf32> to vector<500x8x16xf32>
    %mul3A_93 = arith.mulf %mul3A_91, %mul3A_92 : vector<500x8x16xf32>
    %add3A = arith.addf %mul3A_85, %mul3A_93 : vector<500x8x16xf32>
    %get3A_94 = arith.constant 0 : index
    %get3A_95 = arith.constant 0 : index
    %get3A_96 = vector.load %arg14[%get3A_94, %get3A_95] : memref<8x16xf32, #tpu.memory_space<vmem>>, vector<8x16xf32>
    %broadcast_in_dim3A_97 = vector.shape_cast %get3A_96 : vector<8x16xf32> to vector<1x8x16xf32>
    %add3A_98 = vector.broadcast %broadcast_in_dim3A_97 : vector<1x8x16xf32> to vector<500x8x16xf32>
    %add3A_99 = arith.addf %add3A, %add3A_98 : vector<500x8x16xf32>
    %max3A = arith.constant 0.000000e+00 : f32
    %max3A_100 = vector.broadcast %max3A : f32 to vector<500x8x16xf32>
    %max3A_101 = arith.maximumf %add3A_99, %max3A_100 : vector<500x8x16xf32>
    %get3A_102 = arith.constant 0 : index
    %get3A_103 = arith.constant 0 : index
    %get3A_104 = vector.load %arg15[%get3A_102, %get3A_103] : memref<8x16xf32, #tpu.memory_space<vmem>>, vector<8x16xf32>
    %broadcast_in_dim3A_105 = vector.shape_cast %get3A_104 : vector<8x16xf32> to vector<1x8x16xf32>
    %mul3A_106 = vector.broadcast %broadcast_in_dim3A_105 : vector<1x8x16xf32> to vector<500x8x16xf32>
    %mul3A_107 = arith.mulf %max3A_101, %mul3A_106 : vector<500x8x16xf32>
    %reduce_sum3A_108 = arith.constant dense<0.000000e+00> : vector<500x8xf32>
    %reduce_sum3A_109 = vector.multi_reduction <add>, %mul3A_107, %reduce_sum3A_108 [2] : vector<500x8x16xf32> to vector<500x8xf32>
    %get3A_110 = arith.constant 0 : index
    %get3A_111 = arith.constant 0 : index
    %get3A_112 = vector.load %arg16[%get3A_110, %get3A_111] : memref<1x8xf32, #tpu.memory_space<vmem>>, vector<1x8xf32>
    %add3A_113 = vector.broadcast %get3A_112 : vector<1x8xf32> to vector<500x8xf32>
    %add3A_114 = arith.addf %reduce_sum3A_109, %add3A_113 : vector<500x8xf32>
    %get3A_115 = arith.constant 0 : index
    %get3A_116 = arith.constant 0 : index
    %get3A_117 = vector.load %arg17[%get3A_115, %get3A_116] : memref<1x8xf32, #tpu.memory_space<vmem>>, vector<1x8xf32>
    %mul3A_118 = vector.broadcast %get3A_117 : vector<1x8xf32> to vector<500x8xf32>
    %mul3A_119 = arith.mulf %add3A_114, %mul3A_118 : vector<500x8xf32>
    %reduce_sum3A_120 = arith.constant dense<0.000000e+00> : vector<500xf32>
    %reduce_sum3A_121 = vector.multi_reduction <add>, %mul3A_119, %reduce_sum3A_120 [1] : vector<500x8xf32> to vector<500xf32>
    %broadcast_in_dim3A_122 = vector.shape_cast %reduce_sum3A_121 : vector<500xf32> to vector<500x1xf32>
    %get3A_123 = arith.constant 0 : index
    %get3A_124 = arith.constant 0 : index
    %get3A_125 = arith.constant 0 : index
    %get3A_126 = vector.load %arg9[%get3A_123, %get3A_124, %get3A_125] : memref<1x1x8xf32, #tpu.memory_space<vmem>>, vector<1x1x8xf32>
    %get3A_127 = vector.shape_cast %get3A_126 : vector<1x1x8xf32> to vector<1x8xf32>
    %slice3A_128 = vector.extract_strided_slice %get3A_127 {offsets = [0, 0], sizes = [1, 1], strides = [1, 1]} : vector<1x8xf32> to vector<1x1xf32>
    %div3A = vector.broadcast %slice3A_128 : vector<1x1xf32> to vector<500x1xf32>
    %div3A_129 = arith.divf %broadcast_in_dim3A_122, %div3A : vector<500x1xf32>
    %mul3A_130 = arith.constant 500 : i32
    %mul3A_131 = vector.broadcast %mul3A_130 : i32 to vector<500x1xi32>
    %mul3A_132 = arith.muli %slice3A, %mul3A_131 : vector<500x1xi32>
    %add3A_133 = arith.addi %mul3A_132, %slice3A_30 : vector<500x1xi32>
    %mul3A_134 = arith.constant 500 : i32
    %mul3A_135 = vector.broadcast %mul3A_134 : i32 to vector<1x500xi32>
    %mul3A_136 = arith.muli %slice3A_36, %mul3A_135 : vector<1x500xi32>
    %add3A_137 = arith.addi %mul3A_136, %slice3A_42 : vector<1x500xi32>
    %eq3A_138 = vector.broadcast %add3A_133 : vector<500x1xi32> to vector<500x500xi32>
    %eq3A_139 = vector.broadcast %add3A_137 : vector<1x500xi32> to vector<500x500xi32>
    %eq3A_140 = arith.cmpi eq, %eq3A_138, %eq3A_139 : vector<500x500xi32>
    %gt3A = arith.cmpi sgt, %iota3A, %iota3A_18 : vector<500x500xi32>
    %and3A = arith.andi %eq3A_140, %gt3A : vector<500x500xi1>
    %convert_element_type3A_141 = arith.extui %and3A : vector<500x500xi1> to vector<500x500xi32>
    %convert_element_type3A_142 = arith.sitofp %convert_element_type3A_141 : vector<500x500xi32> to vector<500x500xf32>
    %reduce_sum3A_143 = arith.constant dense<0.000000e+00> : vector<500xf32>
    %reduce_sum3A_144 = vector.multi_reduction <add>, %convert_element_type3A_142, %reduce_sum3A_143 [1] : vector<500x500xf32> to vector<500xf32>
    %broadcast_in_dim3A_145 = vector.shape_cast %reduce_sum3A_144 : vector<500xf32> to vector<500x1xf32>
    %gt3A_146 = arith.constant 0.000000e+00 : f32
    %gt3A_147 = vector.broadcast %gt3A_146 : f32 to vector<500x1xf32>
    %gt3A_148 = arith.cmpf ogt, %broadcast_in_dim3A_145, %gt3A_147 : vector<500x1xf32>
    %jit3A = arith.constant 0.000000e+00 : f32
    %broadcast_in_dim3A_149 = vector.broadcast %jit3A : f32 to vector<500x1xf32>
    %select_n3A = arith.select %gt3A_148, %broadcast_in_dim3A_149, %div3A_129 : vector<500x1xi1>, vector<500x1xf32>
    %eq3A_150 = vector.broadcast %slice3A_36 : vector<1x500xi32> to vector<500x500xi32>
    %eq3A_151 = arith.cmpi eq, %iota3A_18, %eq3A_150 : vector<500x500xi32>
    %convert_element_type3A_152 = arith.extui %eq3A_151 : vector<500x500xi1> to vector<500x500xi32>
    %convert_element_type3A_153 = arith.sitofp %convert_element_type3A_152 : vector<500x500xi32> to vector<500x500xf32>
    %mul3A_154 = vector.broadcast %select_n3A : vector<500x1xf32> to vector<500x500xf32>
    %mul3A_155 = arith.mulf %mul3A_154, %convert_element_type3A_48 : vector<500x500xf32>
    %dot_general3A_156 = arith.constant dense<0.000000e+00> : vector<500x500xf32>
    %dot_general3A_157 = tpu.matmul %convert_element_type3A_153, %mul3A_155, %dot_general3A_156 {dimension_numbers = #tpu.dot_dimension_numbers<[1], [0], [0], [1], [0, 0, 1, 1], [], []>, transpose_lhs_hint = false} : vector<500x500xf32>, vector<500x500xf32>, vector<500x500xf32> -> vector<500x500xf32>
    %add3A_158 = arith.addf %broadcast_in_dim3A_19, %dot_general3A_157 : vector<500x500xf32>
    %get3A_159 = arith.constant 0 : index
    %get3A_160 = arith.constant 0 : index
    %get3A_161 = arith.constant 0 : index
    %get3A_162 = vector.load %arg7[%get3A_159, %get3A_160, %get3A_161] : memref<1x500x8xi32, #tpu.memory_space<vmem>>, vector<1x500x8xi32>
    %get3A_163 = vector.shape_cast %get3A_162 : vector<1x500x8xi32> to vector<500x8xi32>
    %slice3A_164 = vector.extract_strided_slice %get3A_163 {offsets = [0, 1], sizes = [500, 1], strides = [1, 1]} : vector<500x8xi32> to vector<500x1xi32>
    %get3A_165 = arith.constant 0 : index
    %get3A_166 = arith.constant 0 : index
    %get3A_167 = arith.constant 0 : index
    %get3A_168 = vector.load %arg8[%get3A_165, %get3A_166, %get3A_167] : memref<1x500x8xi32, #tpu.memory_space<vmem>>, vector<1x500x8xi32>
    %get3A_169 = vector.shape_cast %get3A_168 : vector<1x500x8xi32> to vector<500x8xi32>
    %slice3A_170 = vector.extract_strided_slice %get3A_169 {offsets = [0, 1], sizes = [500, 1], strides = [1, 1]} : vector<500x8xi32> to vector<500x1xi32>
    %get3A_171 = arith.constant 0 : index
    %get3A_172 = arith.constant 0 : index
    %get3A_173 = arith.constant 0 : index
    %get3A_174 = vector.load %arg5[%get3A_171, %get3A_172, %get3A_173] : memref<1x8x500xi32, #tpu.memory_space<vmem>>, vector<1x8x500xi32>
    %get3A_175 = vector.shape_cast %get3A_174 : vector<1x8x500xi32> to vector<8x500xi32>
    %slice3A_176 = vector.extract_strided_slice %get3A_175 {offsets = [1, 0], sizes = [1, 500], strides = [1, 1]} : vector<8x500xi32> to vector<1x500xi32>
    %get3A_177 = arith.constant 0 : index
    %get3A_178 = arith.constant 0 : index
    %get3A_179 = arith.constant 0 : index
    %get3A_180 = vector.load %arg6[%get3A_177, %get3A_178, %get3A_179] : memref<1x8x500xi32, #tpu.memory_space<vmem>>, vector<1x8x500xi32>
    %get3A_181 = vector.shape_cast %get3A_180 : vector<1x8x500xi32> to vector<8x500xi32>
    %slice3A_182 = vector.extract_strided_slice %get3A_181 {offsets = [1, 0], sizes = [1, 500], strides = [1, 1]} : vector<8x500xi32> to vector<1x500xi32>
    %eq3A_183 = vector.broadcast %slice3A_164 : vector<500x1xi32> to vector<500x500xi32>
    %eq3A_184 = arith.cmpi eq, %iota3A, %eq3A_183 : vector<500x500xi32>
    %convert_element_type3A_185 = arith.extui %eq3A_184 : vector<500x500xi1> to vector<500x500xi32>
    %convert_element_type3A_186 = arith.sitofp %convert_element_type3A_185 : vector<500x500xi32> to vector<500x500xf32>
    %eq3A_187 = vector.broadcast %slice3A_170 : vector<500x1xi32> to vector<500x500xi32>
    %eq3A_188 = arith.cmpi eq, %iota3A, %eq3A_187 : vector<500x500xi32>
    %convert_element_type3A_189 = arith.extui %eq3A_188 : vector<500x500xi1> to vector<500x500xi32>
    %convert_element_type3A_190 = arith.sitofp %convert_element_type3A_189 : vector<500x500xi32> to vector<500x500xf32>
    %dot_general3A_191 = arith.constant dense<0.000000e+00> : vector<500x128xf32>
    %dot_general3A_192 = tpu.matmul %convert_element_type3A_186, %dot_general3A_12, %dot_general3A_191 {dimension_numbers = #tpu.dot_dimension_numbers<[1], [0], [0], [1], [0, 0, 1, 1], [], []>, transpose_lhs_hint = false} : vector<500x500xf32>, vector<500x128xf32>, vector<500x128xf32> -> vector<500x128xf32>
    %dot_general3A_193 = arith.constant dense<0.000000e+00> : vector<500x128xf32>
    %dot_general3A_194 = tpu.matmul %convert_element_type3A_190, %dot_general3A_17, %dot_general3A_193 {dimension_numbers = #tpu.dot_dimension_numbers<[1], [0], [0], [1], [0, 0, 1, 1], [], []>, transpose_lhs_hint = false} : vector<500x500xf32>, vector<500x128xf32>, vector<500x128xf32> -> vector<500x128xf32>
    %mul3A_195 = arith.mulf %dot_general3A_192, %dot_general3A_194 : vector<500x128xf32>
    %reshape3A_196 = vector.shape_cast %mul3A_195 : vector<500x128xf32> to vector<500x8x16xf32>
    %reduce_sum3A_197 = arith.constant dense<0.000000e+00> : vector<500x8xf32>
    %reduce_sum3A_198 = vector.multi_reduction <add>, %reshape3A_196, %reduce_sum3A_197 [2] : vector<500x8x16xf32> to vector<500x8xf32>
    %mul3A_199 = arith.constant 6.250000e-02 : f32
    %mul3A_200 = vector.broadcast %mul3A_199 : f32 to vector<500x8xf32>
    %mul3A_201 = arith.mulf %reduce_sum3A_198, %mul3A_200 : vector<500x8xf32>
    %get3A_202 = arith.constant 0 : index
    %get3A_203 = arith.constant 0 : index
    %get3A_204 = arith.constant 0 : index
    %get3A_205 = vector.load %arg2[%get3A_202, %get3A_203, %get3A_204] : memref<1x4096x128xf32, #tpu.memory_space<vmem>>, vector<1x4096x128xf32>
    %get3A_206 = vector.shape_cast %get3A_205 : vector<1x4096x128xf32> to vector<4096x128xf32>
    %slice3A_207 = vector.extract_strided_slice %get3A_206 {offsets = [500, 0], sizes = [500, 128], strides = [1, 1]} : vector<4096x128xf32> to vector<500x128xf32>
    %get3A_208 = arith.constant 0 : index
    %get3A_209 = arith.constant 0 : index
    %get3A_210 = arith.constant 0 : index
    %get3A_211 = vector.load %arg3[%get3A_208, %get3A_209, %get3A_210] : memref<1x500x8xi32, #tpu.memory_space<vmem>>, vector<1x500x8xi32>
    %get3A_212 = vector.shape_cast %get3A_211 : vector<1x500x8xi32> to vector<500x8xi32>
    %slice3A_213 = vector.extract_strided_slice %get3A_212 {offsets = [0, 1], sizes = [500, 1], strides = [1, 1]} : vector<500x8xi32> to vector<500x1xi32>
    %iota3A_214 = tpu.iota {dimensions = array<i32: 1>} : vector<500x128xi32>
    %eq3A_215 = vector.broadcast %slice3A_213 : vector<500x1xi32> to vector<500x128xi32>
    %eq3A_216 = arith.cmpi eq, %eq3A_215, %iota3A_214 : vector<500x128xi32>
    %convert_element_type3A_217 = arith.extui %eq3A_216 : vector<500x128xi1> to vector<500x128xi32>
    %convert_element_type3A_218 = arith.sitofp %convert_element_type3A_217 : vector<500x128xi32> to vector<500x128xf32>
    %mul3A_219 = arith.mulf %slice3A_207, %convert_element_type3A_218 : vector<500x128xf32>
    %reduce_sum3A_220 = arith.constant dense<0.000000e+00> : vector<500xf32>
    %reduce_sum3A_221 = vector.multi_reduction <add>, %mul3A_219, %reduce_sum3A_220 [1] : vector<500x128xf32> to vector<500xf32>
    %broadcast_in_dim3A_222 = vector.shape_cast %reduce_sum3A_221 : vector<500xf32> to vector<500x1xf32>
    %broadcast_in_dim3A_223 = vector.shape_cast %mul3A_201 : vector<500x8xf32> to vector<500x8x1xf32>
    %get3A_224 = arith.constant 0 : index
    %get3A_225 = arith.constant 0 : index
    %get3A_226 = vector.load %arg12[%get3A_224, %get3A_225] : memref<8x16xf32, #tpu.memory_space<vmem>>, vector<8x16xf32>
    %broadcast_in_dim3A_227 = vector.shape_cast %get3A_226 : vector<8x16xf32> to vector<1x8x16xf32>
    %mul3A_228 = vector.broadcast %broadcast_in_dim3A_223 : vector<500x8x1xf32> to vector<500x8x16xf32>
    %mul3A_229 = vector.broadcast %broadcast_in_dim3A_227 : vector<1x8x16xf32> to vector<500x8x16xf32>
    %mul3A_230 = arith.mulf %mul3A_228, %mul3A_229 : vector<500x8x16xf32>
    %broadcast_in_dim3A_231 = vector.shape_cast %broadcast_in_dim3A_222 : vector<500x1xf32> to vector<500x1x1xf32>
    %get3A_232 = arith.constant 0 : index
    %get3A_233 = arith.constant 0 : index
    %get3A_234 = vector.load %arg13[%get3A_232, %get3A_233] : memref<8x16xf32, #tpu.memory_space<vmem>>, vector<8x16xf32>
    %broadcast_in_dim3A_235 = vector.shape_cast %get3A_234 : vector<8x16xf32> to vector<1x8x16xf32>
    %mul3A_236 = vector.broadcast %broadcast_in_dim3A_231 : vector<500x1x1xf32> to vector<500x8x16xf32>
    %mul3A_237 = vector.broadcast %broadcast_in_dim3A_235 : vector<1x8x16xf32> to vector<500x8x16xf32>
    %mul3A_238 = arith.mulf %mul3A_236, %mul3A_237 : vector<500x8x16xf32>
    %add3A_239 = arith.addf %mul3A_230, %mul3A_238 : vector<500x8x16xf32>
    %get3A_240 = arith.constant 0 : index
    %get3A_241 = arith.constant 0 : index
    %get3A_242 = vector.load %arg14[%get3A_240, %get3A_241] : memref<8x16xf32, #tpu.memory_space<vmem>>, vector<8x16xf32>
    %broadcast_in_dim3A_243 = vector.shape_cast %get3A_242 : vector<8x16xf32> to vector<1x8x16xf32>
    %add3A_244 = vector.broadcast %broadcast_in_dim3A_243 : vector<1x8x16xf32> to vector<500x8x16xf32>
    %add3A_245 = arith.addf %add3A_239, %add3A_244 : vector<500x8x16xf32>
    %max3A_246 = arith.constant 0.000000e+00 : f32
    %max3A_247 = vector.broadcast %max3A_246 : f32 to vector<500x8x16xf32>
    %max3A_248 = arith.maximumf %add3A_245, %max3A_247 : vector<500x8x16xf32>
    %get3A_249 = arith.constant 0 : index
    %get3A_250 = arith.constant 0 : index
    %get3A_251 = vector.load %arg15[%get3A_249, %get3A_250] : memref<8x16xf32, #tpu.memory_space<vmem>>, vector<8x16xf32>
    %broadcast_in_dim3A_252 = vector.shape_cast %get3A_251 : vector<8x16xf32> to vector<1x8x16xf32>
    %mul3A_253 = vector.broadcast %broadcast_in_dim3A_252 : vector<1x8x16xf32> to vector<500x8x16xf32>
    %mul3A_254 = arith.mulf %max3A_248, %mul3A_253 : vector<500x8x16xf32>
    %reduce_sum3A_255 = arith.constant dense<0.000000e+00> : vector<500x8xf32>
    %reduce_sum3A_256 = vector.multi_reduction <add>, %mul3A_254, %reduce_sum3A_255 [2] : vector<500x8x16xf32> to vector<500x8xf32>
    %get3A_257 = arith.constant 0 : index
    %get3A_258 = arith.constant 0 : index
    %get3A_259 = vector.load %arg16[%get3A_257, %get3A_258] : memref<1x8xf32, #tpu.memory_space<vmem>>, vector<1x8xf32>
    %add3A_260 = vector.broadcast %get3A_259 : vector<1x8xf32> to vector<500x8xf32>
    %add3A_261 = arith.addf %reduce_sum3A_256, %add3A_260 : vector<500x8xf32>
    %get3A_262 = arith.constant 0 : index
    %get3A_263 = arith.constant 0 : index
    %get3A_264 = vector.load %arg17[%get3A_262, %get3A_263] : memref<1x8xf32, #tpu.memory_space<vmem>>, vector<1x8xf32>
    %mul3A_265 = vector.broadcast %get3A_264 : vector<1x8xf32> to vector<500x8xf32>
    %mul3A_266 = arith.mulf %add3A_261, %mul3A_265 : vector<500x8xf32>
    %reduce_sum3A_267 = arith.constant dense<0.000000e+00> : vector<500xf32>
    %reduce_sum3A_268 = vector.multi_reduction <add>, %mul3A_266, %reduce_sum3A_267 [1] : vector<500x8xf32> to vector<500xf32>
    %broadcast_in_dim3A_269 = vector.shape_cast %reduce_sum3A_268 : vector<500xf32> to vector<500x1xf32>
    %get3A_270 = arith.constant 0 : index
    %get3A_271 = arith.constant 0 : index
    %get3A_272 = arith.constant 0 : index
    %get3A_273 = vector.load %arg9[%get3A_270, %get3A_271, %get3A_272] : memref<1x1x8xf32, #tpu.memory_space<vmem>>, vector<1x1x8xf32>
    %get3A_274 = vector.shape_cast %get3A_273 : vector<1x1x8xf32> to vector<1x8xf32>
    %slice3A_275 = vector.extract_strided_slice %get3A_274 {offsets = [0, 1], sizes = [1, 1], strides = [1, 1]} : vector<1x8xf32> to vector<1x1xf32>
    %div3A_276 = vector.broadcast %slice3A_275 : vector<1x1xf32> to vector<500x1xf32>
    %div3A_277 = arith.divf %broadcast_in_dim3A_269, %div3A_276 : vector<500x1xf32>
    %mul3A_278 = arith.constant 500 : i32
    %mul3A_279 = vector.broadcast %mul3A_278 : i32 to vector<500x1xi32>
    %mul3A_280 = arith.muli %slice3A_164, %mul3A_279 : vector<500x1xi32>
    %add3A_281 = arith.addi %mul3A_280, %slice3A_170 : vector<500x1xi32>
    %mul3A_282 = arith.constant 500 : i32
    %mul3A_283 = vector.broadcast %mul3A_282 : i32 to vector<1x500xi32>
    %mul3A_284 = arith.muli %slice3A_176, %mul3A_283 : vector<1x500xi32>
    %add3A_285 = arith.addi %mul3A_284, %slice3A_182 : vector<1x500xi32>
    %eq3A_286 = vector.broadcast %add3A_281 : vector<500x1xi32> to vector<500x500xi32>
    %eq3A_287 = vector.broadcast %add3A_285 : vector<1x500xi32> to vector<500x500xi32>
    %eq3A_288 = arith.cmpi eq, %eq3A_286, %eq3A_287 : vector<500x500xi32>
    %gt3A_289 = arith.cmpi sgt, %iota3A, %iota3A_18 : vector<500x500xi32>
    %and3A_290 = arith.andi %eq3A_288, %gt3A_289 : vector<500x500xi1>
    %convert_element_type3A_291 = arith.extui %and3A_290 : vector<500x500xi1> to vector<500x500xi32>
    %convert_element_type3A_292 = arith.sitofp %convert_element_type3A_291 : vector<500x500xi32> to vector<500x500xf32>
    %reduce_sum3A_293 = arith.constant dense<0.000000e+00> : vector<500xf32>
    %reduce_sum3A_294 = vector.multi_reduction <add>, %convert_element_type3A_292, %reduce_sum3A_293 [1] : vector<500x500xf32> to vector<500xf32>
    %broadcast_in_dim3A_295 = vector.shape_cast %reduce_sum3A_294 : vector<500xf32> to vector<500x1xf32>
    %gt3A_296 = arith.constant 0.000000e+00 : f32
    %gt3A_297 = vector.broadcast %gt3A_296 : f32 to vector<500x1xf32>
    %gt3A_298 = arith.cmpf ogt, %broadcast_in_dim3A_295, %gt3A_297 : vector<500x1xf32>
    %jit3A_299 = arith.constant 0.000000e+00 : f32
    %broadcast_in_dim3A_300 = vector.broadcast %jit3A_299 : f32 to vector<500x1xf32>
    %select_n3A_301 = arith.select %gt3A_298, %broadcast_in_dim3A_300, %div3A_277 : vector<500x1xi1>, vector<500x1xf32>
    %eq3A_302 = vector.broadcast %slice3A_176 : vector<1x500xi32> to vector<500x500xi32>
    %eq3A_303 = arith.cmpi eq, %iota3A_18, %eq3A_302 : vector<500x500xi32>
    %convert_element_type3A_304 = arith.extui %eq3A_303 : vector<500x500xi1> to vector<500x500xi32>
    %convert_element_type3A_305 = arith.sitofp %convert_element_type3A_304 : vector<500x500xi32> to vector<500x500xf32>
    %mul3A_306 = vector.broadcast %select_n3A_301 : vector<500x1xf32> to vector<500x500xf32>
    %mul3A_307 = arith.mulf %mul3A_306, %convert_element_type3A_190 : vector<500x500xf32>
    %dot_general3A_308 = arith.constant dense<0.000000e+00> : vector<500x500xf32>
    %dot_general3A_309 = tpu.matmul %convert_element_type3A_305, %mul3A_307, %dot_general3A_308 {dimension_numbers = #tpu.dot_dimension_numbers<[1], [0], [0], [1], [0, 0, 1, 1], [], []>, transpose_lhs_hint = false} : vector<500x500xf32>, vector<500x500xf32>, vector<500x500xf32> -> vector<500x500xf32>
    %add3A_310 = arith.addf %add3A_158, %dot_general3A_309 : vector<500x500xf32>
    %get3A_311 = arith.constant 0 : index
    %get3A_312 = arith.constant 0 : index
    %get3A_313 = arith.constant 0 : index
    %get3A_314 = vector.load %arg7[%get3A_311, %get3A_312, %get3A_313] : memref<1x500x8xi32, #tpu.memory_space<vmem>>, vector<1x500x8xi32>
    %get3A_315 = vector.shape_cast %get3A_314 : vector<1x500x8xi32> to vector<500x8xi32>
    %slice3A_316 = vector.extract_strided_slice %get3A_315 {offsets = [0, 2], sizes = [500, 1], strides = [1, 1]} : vector<500x8xi32> to vector<500x1xi32>
    %get3A_317 = arith.constant 0 : index
    %get3A_318 = arith.constant 0 : index
    %get3A_319 = arith.constant 0 : index
    %get3A_320 = vector.load %arg8[%get3A_317, %get3A_318, %get3A_319] : memref<1x500x8xi32, #tpu.memory_space<vmem>>, vector<1x500x8xi32>
    %get3A_321 = vector.shape_cast %get3A_320 : vector<1x500x8xi32> to vector<500x8xi32>
    %slice3A_322 = vector.extract_strided_slice %get3A_321 {offsets = [0, 2], sizes = [500, 1], strides = [1, 1]} : vector<500x8xi32> to vector<500x1xi32>
    %get3A_323 = arith.constant 0 : index
    %get3A_324 = arith.constant 0 : index
    %get3A_325 = arith.constant 0 : index
    %get3A_326 = vector.load %arg5[%get3A_323, %get3A_324, %get3A_325] : memref<1x8x500xi32, #tpu.memory_space<vmem>>, vector<1x8x500xi32>
    %get3A_327 = vector.shape_cast %get3A_326 : vector<1x8x500xi32> to vector<8x500xi32>
    %slice3A_328 = vector.extract_strided_slice %get3A_327 {offsets = [2, 0], sizes = [1, 500], strides = [1, 1]} : vector<8x500xi32> to vector<1x500xi32>
    %get3A_329 = arith.constant 0 : index
    %get3A_330 = arith.constant 0 : index
    %get3A_331 = arith.constant 0 : index
    %get3A_332 = vector.load %arg6[%get3A_329, %get3A_330, %get3A_331] : memref<1x8x500xi32, #tpu.memory_space<vmem>>, vector<1x8x500xi32>
    %get3A_333 = vector.shape_cast %get3A_332 : vector<1x8x500xi32> to vector<8x500xi32>
    %slice3A_334 = vector.extract_strided_slice %get3A_333 {offsets = [2, 0], sizes = [1, 500], strides = [1, 1]} : vector<8x500xi32> to vector<1x500xi32>
    %eq3A_335 = vector.broadcast %slice3A_316 : vector<500x1xi32> to vector<500x500xi32>
    %eq3A_336 = arith.cmpi eq, %iota3A, %eq3A_335 : vector<500x500xi32>
    %convert_element_type3A_337 = arith.extui %eq3A_336 : vector<500x500xi1> to vector<500x500xi32>
    %convert_element_type3A_338 = arith.sitofp %convert_element_type3A_337 : vector<500x500xi32> to vector<500x500xf32>
    %eq3A_339 = vector.broadcast %slice3A_322 : vector<500x1xi32> to vector<500x500xi32>
    %eq3A_340 = arith.cmpi eq, %iota3A, %eq3A_339 : vector<500x500xi32>
    %convert_element_type3A_341 = arith.extui %eq3A_340 : vector<500x500xi1> to vector<500x500xi32>
    %convert_element_type3A_342 = arith.sitofp %convert_element_type3A_341 : vector<500x500xi32> to vector<500x500xf32>
    %dot_general3A_343 = arith.constant dense<0.000000e+00> : vector<500x128xf32>
    %dot_general3A_344 = tpu.matmul %convert_element_type3A_338, %dot_general3A_12, %dot_general3A_343 {dimension_numbers = #tpu.dot_dimension_numbers<[1], [0], [0], [1], [0, 0, 1, 1], [], []>, transpose_lhs_hint = false} : vector<500x500xf32>, vector<500x128xf32>, vector<500x128xf32> -> vector<500x128xf32>
    %dot_general3A_345 = arith.constant dense<0.000000e+00> : vector<500x128xf32>
    %dot_general3A_346 = tpu.matmul %convert_element_type3A_342, %dot_general3A_17, %dot_general3A_345 {dimension_numbers = #tpu.dot_dimension_numbers<[1], [0], [0], [1], [0, 0, 1, 1], [], []>, transpose_lhs_hint = false} : vector<500x500xf32>, vector<500x128xf32>, vector<500x128xf32> -> vector<500x128xf32>
    %mul3A_347 = arith.mulf %dot_general3A_344, %dot_general3A_346 : vector<500x128xf32>
    %reshape3A_348 = vector.shape_cast %mul3A_347 : vector<500x128xf32> to vector<500x8x16xf32>
    %reduce_sum3A_349 = arith.constant dense<0.000000e+00> : vector<500x8xf32>
    %reduce_sum3A_350 = vector.multi_reduction <add>, %reshape3A_348, %reduce_sum3A_349 [2] : vector<500x8x16xf32> to vector<500x8xf32>
    %mul3A_351 = arith.constant 6.250000e-02 : f32
    %mul3A_352 = vector.broadcast %mul3A_351 : f32 to vector<500x8xf32>
    %mul3A_353 = arith.mulf %reduce_sum3A_350, %mul3A_352 : vector<500x8xf32>
    %get3A_354 = arith.constant 0 : index
    %get3A_355 = arith.constant 0 : index
    %get3A_356 = arith.constant 0 : index
    %get3A_357 = vector.load %arg2[%get3A_354, %get3A_355, %get3A_356] : memref<1x4096x128xf32, #tpu.memory_space<vmem>>, vector<1x4096x128xf32>
    %get3A_358 = vector.shape_cast %get3A_357 : vector<1x4096x128xf32> to vector<4096x128xf32>
    %slice3A_359 = vector.extract_strided_slice %get3A_358 {offsets = [1000, 0], sizes = [500, 128], strides = [1, 1]} : vector<4096x128xf32> to vector<500x128xf32>
    %get3A_360 = arith.constant 0 : index
    %get3A_361 = arith.constant 0 : index
    %get3A_362 = arith.constant 0 : index
    %get3A_363 = vector.load %arg3[%get3A_360, %get3A_361, %get3A_362] : memref<1x500x8xi32, #tpu.memory_space<vmem>>, vector<1x500x8xi32>
    %get3A_364 = vector.shape_cast %get3A_363 : vector<1x500x8xi32> to vector<500x8xi32>
    %slice3A_365 = vector.extract_strided_slice %get3A_364 {offsets = [0, 2], sizes = [500, 1], strides = [1, 1]} : vector<500x8xi32> to vector<500x1xi32>
    %iota3A_366 = tpu.iota {dimensions = array<i32: 1>} : vector<500x128xi32>
    %eq3A_367 = vector.broadcast %slice3A_365 : vector<500x1xi32> to vector<500x128xi32>
    %eq3A_368 = arith.cmpi eq, %eq3A_367, %iota3A_366 : vector<500x128xi32>
    %convert_element_type3A_369 = arith.extui %eq3A_368 : vector<500x128xi1> to vector<500x128xi32>
    %convert_element_type3A_370 = arith.sitofp %convert_element_type3A_369 : vector<500x128xi32> to vector<500x128xf32>
    %mul3A_371 = arith.mulf %slice3A_359, %convert_element_type3A_370 : vector<500x128xf32>
    %reduce_sum3A_372 = arith.constant dense<0.000000e+00> : vector<500xf32>
    %reduce_sum3A_373 = vector.multi_reduction <add>, %mul3A_371, %reduce_sum3A_372 [1] : vector<500x128xf32> to vector<500xf32>
    %broadcast_in_dim3A_374 = vector.shape_cast %reduce_sum3A_373 : vector<500xf32> to vector<500x1xf32>
    %broadcast_in_dim3A_375 = vector.shape_cast %mul3A_353 : vector<500x8xf32> to vector<500x8x1xf32>
    %get3A_376 = arith.constant 0 : index
    %get3A_377 = arith.constant 0 : index
    %get3A_378 = vector.load %arg12[%get3A_376, %get3A_377] : memref<8x16xf32, #tpu.memory_space<vmem>>, vector<8x16xf32>
    %broadcast_in_dim3A_379 = vector.shape_cast %get3A_378 : vector<8x16xf32> to vector<1x8x16xf32>
    %mul3A_380 = vector.broadcast %broadcast_in_dim3A_375 : vector<500x8x1xf32> to vector<500x8x16xf32>
    %mul3A_381 = vector.broadcast %broadcast_in_dim3A_379 : vector<1x8x16xf32> to vector<500x8x16xf32>
    %mul3A_382 = arith.mulf %mul3A_380, %mul3A_381 : vector<500x8x16xf32>
    %broadcast_in_dim3A_383 = vector.shape_cast %broadcast_in_dim3A_374 : vector<500x1xf32> to vector<500x1x1xf32>
    %get3A_384 = arith.constant 0 : index
    %get3A_385 = arith.constant 0 : index
    %get3A_386 = vector.load %arg13[%get3A_384, %get3A_385] : memref<8x16xf32, #tpu.memory_space<vmem>>, vector<8x16xf32>
    %broadcast_in_dim3A_387 = vector.shape_cast %get3A_386 : vector<8x16xf32> to vector<1x8x16xf32>
    %mul3A_388 = vector.broadcast %broadcast_in_dim3A_383 : vector<500x1x1xf32> to vector<500x8x16xf32>
    %mul3A_389 = vector.broadcast %broadcast_in_dim3A_387 : vector<1x8x16xf32> to vector<500x8x16xf32>
    %mul3A_390 = arith.mulf %mul3A_388, %mul3A_389 : vector<500x8x16xf32>
    %add3A_391 = arith.addf %mul3A_382, %mul3A_390 : vector<500x8x16xf32>
    %get3A_392 = arith.constant 0 : index
    %get3A_393 = arith.constant 0 : index
    %get3A_394 = vector.load %arg14[%get3A_392, %get3A_393] : memref<8x16xf32, #tpu.memory_space<vmem>>, vector<8x16xf32>
    %broadcast_in_dim3A_395 = vector.shape_cast %get3A_394 : vector<8x16xf32> to vector<1x8x16xf32>
    %add3A_396 = vector.broadcast %broadcast_in_dim3A_395 : vector<1x8x16xf32> to vector<500x8x16xf32>
    %add3A_397 = arith.addf %add3A_391, %add3A_396 : vector<500x8x16xf32>
    %max3A_398 = arith.constant 0.000000e+00 : f32
    %max3A_399 = vector.broadcast %max3A_398 : f32 to vector<500x8x16xf32>
    %max3A_400 = arith.maximumf %add3A_397, %max3A_399 : vector<500x8x16xf32>
    %get3A_401 = arith.constant 0 : index
    %get3A_402 = arith.constant 0 : index
    %get3A_403 = vector.load %arg15[%get3A_401, %get3A_402] : memref<8x16xf32, #tpu.memory_space<vmem>>, vector<8x16xf32>
    %broadcast_in_dim3A_404 = vector.shape_cast %get3A_403 : vector<8x16xf32> to vector<1x8x16xf32>
    %mul3A_405 = vector.broadcast %broadcast_in_dim3A_404 : vector<1x8x16xf32> to vector<500x8x16xf32>
    %mul3A_406 = arith.mulf %max3A_400, %mul3A_405 : vector<500x8x16xf32>
    %reduce_sum3A_407 = arith.constant dense<0.000000e+00> : vector<500x8xf32>
    %reduce_sum3A_408 = vector.multi_reduction <add>, %mul3A_406, %reduce_sum3A_407 [2] : vector<500x8x16xf32> to vector<500x8xf32>
    %get3A_409 = arith.constant 0 : index
    %get3A_410 = arith.constant 0 : index
    %get3A_411 = vector.load %arg16[%get3A_409, %get3A_410] : memref<1x8xf32, #tpu.memory_space<vmem>>, vector<1x8xf32>
    %add3A_412 = vector.broadcast %get3A_411 : vector<1x8xf32> to vector<500x8xf32>
    %add3A_413 = arith.addf %reduce_sum3A_408, %add3A_412 : vector<500x8xf32>
    %get3A_414 = arith.constant 0 : index
    %get3A_415 = arith.constant 0 : index
    %get3A_416 = vector.load %arg17[%get3A_414, %get3A_415] : memref<1x8xf32, #tpu.memory_space<vmem>>, vector<1x8xf32>
    %mul3A_417 = vector.broadcast %get3A_416 : vector<1x8xf32> to vector<500x8xf32>
    %mul3A_418 = arith.mulf %add3A_413, %mul3A_417 : vector<500x8xf32>
    %reduce_sum3A_419 = arith.constant dense<0.000000e+00> : vector<500xf32>
    %reduce_sum3A_420 = vector.multi_reduction <add>, %mul3A_418, %reduce_sum3A_419 [1] : vector<500x8xf32> to vector<500xf32>
    %broadcast_in_dim3A_421 = vector.shape_cast %reduce_sum3A_420 : vector<500xf32> to vector<500x1xf32>
    %get3A_422 = arith.constant 0 : index
    %get3A_423 = arith.constant 0 : index
    %get3A_424 = arith.constant 0 : index
    %get3A_425 = vector.load %arg9[%get3A_422, %get3A_423, %get3A_424] : memref<1x1x8xf32, #tpu.memory_space<vmem>>, vector<1x1x8xf32>
    %get3A_426 = vector.shape_cast %get3A_425 : vector<1x1x8xf32> to vector<1x8xf32>
    %slice3A_427 = vector.extract_strided_slice %get3A_426 {offsets = [0, 2], sizes = [1, 1], strides = [1, 1]} : vector<1x8xf32> to vector<1x1xf32>
    %div3A_428 = vector.broadcast %slice3A_427 : vector<1x1xf32> to vector<500x1xf32>
    %div3A_429 = arith.divf %broadcast_in_dim3A_421, %div3A_428 : vector<500x1xf32>
    %mul3A_430 = arith.constant 500 : i32
    %mul3A_431 = vector.broadcast %mul3A_430 : i32 to vector<500x1xi32>
    %mul3A_432 = arith.muli %slice3A_316, %mul3A_431 : vector<500x1xi32>
    %add3A_433 = arith.addi %mul3A_432, %slice3A_322 : vector<500x1xi32>
    %mul3A_434 = arith.constant 500 : i32
    %mul3A_435 = vector.broadcast %mul3A_434 : i32 to vector<1x500xi32>
    %mul3A_436 = arith.muli %slice3A_328, %mul3A_435 : vector<1x500xi32>
    %add3A_437 = arith.addi %mul3A_436, %slice3A_334 : vector<1x500xi32>
    %eq3A_438 = vector.broadcast %add3A_433 : vector<500x1xi32> to vector<500x500xi32>
    %eq3A_439 = vector.broadcast %add3A_437 : vector<1x500xi32> to vector<500x500xi32>
    %eq3A_440 = arith.cmpi eq, %eq3A_438, %eq3A_439 : vector<500x500xi32>
    %gt3A_441 = arith.cmpi sgt, %iota3A, %iota3A_18 : vector<500x500xi32>
    %and3A_442 = arith.andi %eq3A_440, %gt3A_441 : vector<500x500xi1>
    %convert_element_type3A_443 = arith.extui %and3A_442 : vector<500x500xi1> to vector<500x500xi32>
    %convert_element_type3A_444 = arith.sitofp %convert_element_type3A_443 : vector<500x500xi32> to vector<500x500xf32>
    %reduce_sum3A_445 = arith.constant dense<0.000000e+00> : vector<500xf32>
    %reduce_sum3A_446 = vector.multi_reduction <add>, %convert_element_type3A_444, %reduce_sum3A_445 [1] : vector<500x500xf32> to vector<500xf32>
    %broadcast_in_dim3A_447 = vector.shape_cast %reduce_sum3A_446 : vector<500xf32> to vector<500x1xf32>
    %gt3A_448 = arith.constant 0.000000e+00 : f32
    %gt3A_449 = vector.broadcast %gt3A_448 : f32 to vector<500x1xf32>
    %gt3A_450 = arith.cmpf ogt, %broadcast_in_dim3A_447, %gt3A_449 : vector<500x1xf32>
    %jit3A_451 = arith.constant 0.000000e+00 : f32
    %broadcast_in_dim3A_452 = vector.broadcast %jit3A_451 : f32 to vector<500x1xf32>
    %select_n3A_453 = arith.select %gt3A_450, %broadcast_in_dim3A_452, %div3A_429 : vector<500x1xi1>, vector<500x1xf32>
    %eq3A_454 = vector.broadcast %slice3A_328 : vector<1x500xi32> to vector<500x500xi32>
    %eq3A_455 = arith.cmpi eq, %iota3A_18, %eq3A_454 : vector<500x500xi32>
    %convert_element_type3A_456 = arith.extui %eq3A_455 : vector<500x500xi1> to vector<500x500xi32>
    %convert_element_type3A_457 = arith.sitofp %convert_element_type3A_456 : vector<500x500xi32> to vector<500x500xf32>
    %mul3A_458 = vector.broadcast %select_n3A_453 : vector<500x1xf32> to vector<500x500xf32>
    %mul3A_459 = arith.mulf %mul3A_458, %convert_element_type3A_342 : vector<500x500xf32>
    %dot_general3A_460 = arith.constant dense<0.000000e+00> : vector<500x500xf32>
    %dot_general3A_461 = tpu.matmul %convert_element_type3A_457, %mul3A_459, %dot_general3A_460 {dimension_numbers = #tpu.dot_dimension_numbers<[1], [0], [0], [1], [0, 0, 1, 1], [], []>, transpose_lhs_hint = false} : vector<500x500xf32>, vector<500x500xf32>, vector<500x500xf32> -> vector<500x500xf32>
    %add3A_462 = arith.addf %add3A_310, %dot_general3A_461 : vector<500x500xf32>
    %get3A_463 = arith.constant 0 : index
    %get3A_464 = arith.constant 0 : index
    %get3A_465 = arith.constant 0 : index
    %get3A_466 = vector.load %arg7[%get3A_463, %get3A_464, %get3A_465] : memref<1x500x8xi32, #tpu.memory_space<vmem>>, vector<1x500x8xi32>
    %get3A_467 = vector.shape_cast %get3A_466 : vector<1x500x8xi32> to vector<500x8xi32>
    %slice3A_468 = vector.extract_strided_slice %get3A_467 {offsets = [0, 3], sizes = [500, 1], strides = [1, 1]} : vector<500x8xi32> to vector<500x1xi32>
    %get3A_469 = arith.constant 0 : index
    %get3A_470 = arith.constant 0 : index
    %get3A_471 = arith.constant 0 : index
    %get3A_472 = vector.load %arg8[%get3A_469, %get3A_470, %get3A_471] : memref<1x500x8xi32, #tpu.memory_space<vmem>>, vector<1x500x8xi32>
    %get3A_473 = vector.shape_cast %get3A_472 : vector<1x500x8xi32> to vector<500x8xi32>
    %slice3A_474 = vector.extract_strided_slice %get3A_473 {offsets = [0, 3], sizes = [500, 1], strides = [1, 1]} : vector<500x8xi32> to vector<500x1xi32>
    %get3A_475 = arith.constant 0 : index
    %get3A_476 = arith.constant 0 : index
    %get3A_477 = arith.constant 0 : index
    %get3A_478 = vector.load %arg5[%get3A_475, %get3A_476, %get3A_477] : memref<1x8x500xi32, #tpu.memory_space<vmem>>, vector<1x8x500xi32>
    %get3A_479 = vector.shape_cast %get3A_478 : vector<1x8x500xi32> to vector<8x500xi32>
    %slice3A_480 = vector.extract_strided_slice %get3A_479 {offsets = [3, 0], sizes = [1, 500], strides = [1, 1]} : vector<8x500xi32> to vector<1x500xi32>
    %get3A_481 = arith.constant 0 : index
    %get3A_482 = arith.constant 0 : index
    %get3A_483 = arith.constant 0 : index
    %get3A_484 = vector.load %arg6[%get3A_481, %get3A_482, %get3A_483] : memref<1x8x500xi32, #tpu.memory_space<vmem>>, vector<1x8x500xi32>
    %get3A_485 = vector.shape_cast %get3A_484 : vector<1x8x500xi32> to vector<8x500xi32>
    %slice3A_486 = vector.extract_strided_slice %get3A_485 {offsets = [3, 0], sizes = [1, 500], strides = [1, 1]} : vector<8x500xi32> to vector<1x500xi32>
    %eq3A_487 = vector.broadcast %slice3A_468 : vector<500x1xi32> to vector<500x500xi32>
    %eq3A_488 = arith.cmpi eq, %iota3A, %eq3A_487 : vector<500x500xi32>
    %convert_element_type3A_489 = arith.extui %eq3A_488 : vector<500x500xi1> to vector<500x500xi32>
    %convert_element_type3A_490 = arith.sitofp %convert_element_type3A_489 : vector<500x500xi32> to vector<500x500xf32>
    %eq3A_491 = vector.broadcast %slice3A_474 : vector<500x1xi32> to vector<500x500xi32>
    %eq3A_492 = arith.cmpi eq, %iota3A, %eq3A_491 : vector<500x500xi32>
    %convert_element_type3A_493 = arith.extui %eq3A_492 : vector<500x500xi1> to vector<500x500xi32>
    %convert_element_type3A_494 = arith.sitofp %convert_element_type3A_493 : vector<500x500xi32> to vector<500x500xf32>
    %dot_general3A_495 = arith.constant dense<0.000000e+00> : vector<500x128xf32>
    %dot_general3A_496 = tpu.matmul %convert_element_type3A_490, %dot_general3A_12, %dot_general3A_495 {dimension_numbers = #tpu.dot_dimension_numbers<[1], [0], [0], [1], [0, 0, 1, 1], [], []>, transpose_lhs_hint = false} : vector<500x500xf32>, vector<500x128xf32>, vector<500x128xf32> -> vector<500x128xf32>
    %dot_general3A_497 = arith.constant dense<0.000000e+00> : vector<500x128xf32>
    %dot_general3A_498 = tpu.matmul %convert_element_type3A_494, %dot_general3A_17, %dot_general3A_497 {dimension_numbers = #tpu.dot_dimension_numbers<[1], [0], [0], [1], [0, 0, 1, 1], [], []>, transpose_lhs_hint = false} : vector<500x500xf32>, vector<500x128xf32>, vector<500x128xf32> -> vector<500x128xf32>
    %mul3A_499 = arith.mulf %dot_general3A_496, %dot_general3A_498 : vector<500x128xf32>
    %reshape3A_500 = vector.shape_cast %mul3A_499 : vector<500x128xf32> to vector<500x8x16xf32>
    %reduce_sum3A_501 = arith.constant dense<0.000000e+00> : vector<500x8xf32>
    %reduce_sum3A_502 = vector.multi_reduction <add>, %reshape3A_500, %reduce_sum3A_501 [2] : vector<500x8x16xf32> to vector<500x8xf32>
    %mul3A_503 = arith.constant 6.250000e-02 : f32
    %mul3A_504 = vector.broadcast %mul3A_503 : f32 to vector<500x8xf32>
    %mul3A_505 = arith.mulf %reduce_sum3A_502, %mul3A_504 : vector<500x8xf32>
    %get3A_506 = arith.constant 0 : index
    %get3A_507 = arith.constant 0 : index
    %get3A_508 = arith.constant 0 : index
    %get3A_509 = vector.load %arg2[%get3A_506, %get3A_507, %get3A_508] : memref<1x4096x128xf32, #tpu.memory_space<vmem>>, vector<1x4096x128xf32>
    %get3A_510 = vector.shape_cast %get3A_509 : vector<1x4096x128xf32> to vector<4096x128xf32>
    %slice3A_511 = vector.extract_strided_slice %get3A_510 {offsets = [1500, 0], sizes = [500, 128], strides = [1, 1]} : vector<4096x128xf32> to vector<500x128xf32>
    %get3A_512 = arith.constant 0 : index
    %get3A_513 = arith.constant 0 : index
    %get3A_514 = arith.constant 0 : index
    %get3A_515 = vector.load %arg3[%get3A_512, %get3A_513, %get3A_514] : memref<1x500x8xi32, #tpu.memory_space<vmem>>, vector<1x500x8xi32>
    %get3A_516 = vector.shape_cast %get3A_515 : vector<1x500x8xi32> to vector<500x8xi32>
    %slice3A_517 = vector.extract_strided_slice %get3A_516 {offsets = [0, 3], sizes = [500, 1], strides = [1, 1]} : vector<500x8xi32> to vector<500x1xi32>
    %iota3A_518 = tpu.iota {dimensions = array<i32: 1>} : vector<500x128xi32>
    %eq3A_519 = vector.broadcast %slice3A_517 : vector<500x1xi32> to vector<500x128xi32>
    %eq3A_520 = arith.cmpi eq, %eq3A_519, %iota3A_518 : vector<500x128xi32>
    %convert_element_type3A_521 = arith.extui %eq3A_520 : vector<500x128xi1> to vector<500x128xi32>
    %convert_element_type3A_522 = arith.sitofp %convert_element_type3A_521 : vector<500x128xi32> to vector<500x128xf32>
    %mul3A_523 = arith.mulf %slice3A_511, %convert_element_type3A_522 : vector<500x128xf32>
    %reduce_sum3A_524 = arith.constant dense<0.000000e+00> : vector<500xf32>
    %reduce_sum3A_525 = vector.multi_reduction <add>, %mul3A_523, %reduce_sum3A_524 [1] : vector<500x128xf32> to vector<500xf32>
    %broadcast_in_dim3A_526 = vector.shape_cast %reduce_sum3A_525 : vector<500xf32> to vector<500x1xf32>
    %broadcast_in_dim3A_527 = vector.shape_cast %mul3A_505 : vector<500x8xf32> to vector<500x8x1xf32>
    %get3A_528 = arith.constant 0 : index
    %get3A_529 = arith.constant 0 : index
    %get3A_530 = vector.load %arg12[%get3A_528, %get3A_529] : memref<8x16xf32, #tpu.memory_space<vmem>>, vector<8x16xf32>
    %broadcast_in_dim3A_531 = vector.shape_cast %get3A_530 : vector<8x16xf32> to vector<1x8x16xf32>
    %mul3A_532 = vector.broadcast %broadcast_in_dim3A_527 : vector<500x8x1xf32> to vector<500x8x16xf32>
    %mul3A_533 = vector.broadcast %broadcast_in_dim3A_531 : vector<1x8x16xf32> to vector<500x8x16xf32>
    %mul3A_534 = arith.mulf %mul3A_532, %mul3A_533 : vector<500x8x16xf32>
    %broadcast_in_dim3A_535 = vector.shape_cast %broadcast_in_dim3A_526 : vector<500x1xf32> to vector<500x1x1xf32>
    %get3A_536 = arith.constant 0 : index
    %get3A_537 = arith.constant 0 : index
    %get3A_538 = vector.load %arg13[%get3A_536, %get3A_537] : memref<8x16xf32, #tpu.memory_space<vmem>>, vector<8x16xf32>
    %broadcast_in_dim3A_539 = vector.shape_cast %get3A_538 : vector<8x16xf32> to vector<1x8x16xf32>
    %mul3A_540 = vector.broadcast %broadcast_in_dim3A_535 : vector<500x1x1xf32> to vector<500x8x16xf32>
    %mul3A_541 = vector.broadcast %broadcast_in_dim3A_539 : vector<1x8x16xf32> to vector<500x8x16xf32>
    %mul3A_542 = arith.mulf %mul3A_540, %mul3A_541 : vector<500x8x16xf32>
    %add3A_543 = arith.addf %mul3A_534, %mul3A_542 : vector<500x8x16xf32>
    %get3A_544 = arith.constant 0 : index
    %get3A_545 = arith.constant 0 : index
    %get3A_546 = vector.load %arg14[%get3A_544, %get3A_545] : memref<8x16xf32, #tpu.memory_space<vmem>>, vector<8x16xf32>
    %broadcast_in_dim3A_547 = vector.shape_cast %get3A_546 : vector<8x16xf32> to vector<1x8x16xf32>
    %add3A_548 = vector.broadcast %broadcast_in_dim3A_547 : vector<1x8x16xf32> to vector<500x8x16xf32>
    %add3A_549 = arith.addf %add3A_543, %add3A_548 : vector<500x8x16xf32>
    %max3A_550 = arith.constant 0.000000e+00 : f32
    %max3A_551 = vector.broadcast %max3A_550 : f32 to vector<500x8x16xf32>
    %max3A_552 = arith.maximumf %add3A_549, %max3A_551 : vector<500x8x16xf32>
    %get3A_553 = arith.constant 0 : index
    %get3A_554 = arith.constant 0 : index
    %get3A_555 = vector.load %arg15[%get3A_553, %get3A_554] : memref<8x16xf32, #tpu.memory_space<vmem>>, vector<8x16xf32>
    %broadcast_in_dim3A_556 = vector.shape_cast %get3A_555 : vector<8x16xf32> to vector<1x8x16xf32>
    %mul3A_557 = vector.broadcast %broadcast_in_dim3A_556 : vector<1x8x16xf32> to vector<500x8x16xf32>
    %mul3A_558 = arith.mulf %max3A_552, %mul3A_557 : vector<500x8x16xf32>
    %reduce_sum3A_559 = arith.constant dense<0.000000e+00> : vector<500x8xf32>
    %reduce_sum3A_560 = vector.multi_reduction <add>, %mul3A_558, %reduce_sum3A_559 [2] : vector<500x8x16xf32> to vector<500x8xf32>
    %get3A_561 = arith.constant 0 : index
    %get3A_562 = arith.constant 0 : index
    %get3A_563 = vector.load %arg16[%get3A_561, %get3A_562] : memref<1x8xf32, #tpu.memory_space<vmem>>, vector<1x8xf32>
    %add3A_564 = vector.broadcast %get3A_563 : vector<1x8xf32> to vector<500x8xf32>
    %add3A_565 = arith.addf %reduce_sum3A_560, %add3A_564 : vector<500x8xf32>
    %get3A_566 = arith.constant 0 : index
    %get3A_567 = arith.constant 0 : index
    %get3A_568 = vector.load %arg17[%get3A_566, %get3A_567] : memref<1x8xf32, #tpu.memory_space<vmem>>, vector<1x8xf32>
    %mul3A_569 = vector.broadcast %get3A_568 : vector<1x8xf32> to vector<500x8xf32>
    %mul3A_570 = arith.mulf %add3A_565, %mul3A_569 : vector<500x8xf32>
    %reduce_sum3A_571 = arith.constant dense<0.000000e+00> : vector<500xf32>
    %reduce_sum3A_572 = vector.multi_reduction <add>, %mul3A_570, %reduce_sum3A_571 [1] : vector<500x8xf32> to vector<500xf32>
    %broadcast_in_dim3A_573 = vector.shape_cast %reduce_sum3A_572 : vector<500xf32> to vector<500x1xf32>
    %get3A_574 = arith.constant 0 : index
    %get3A_575 = arith.constant 0 : index
    %get3A_576 = arith.constant 0 : index
    %get3A_577 = vector.load %arg9[%get3A_574, %get3A_575, %get3A_576] : memref<1x1x8xf32, #tpu.memory_space<vmem>>, vector<1x1x8xf32>
    %get3A_578 = vector.shape_cast %get3A_577 : vector<1x1x8xf32> to vector<1x8xf32>
    %slice3A_579 = vector.extract_strided_slice %get3A_578 {offsets = [0, 3], sizes = [1, 1], strides = [1, 1]} : vector<1x8xf32> to vector<1x1xf32>
    %div3A_580 = vector.broadcast %slice3A_579 : vector<1x1xf32> to vector<500x1xf32>
    %div3A_581 = arith.divf %broadcast_in_dim3A_573, %div3A_580 : vector<500x1xf32>
    %mul3A_582 = arith.constant 500 : i32
    %mul3A_583 = vector.broadcast %mul3A_582 : i32 to vector<500x1xi32>
    %mul3A_584 = arith.muli %slice3A_468, %mul3A_583 : vector<500x1xi32>
    %add3A_585 = arith.addi %mul3A_584, %slice3A_474 : vector<500x1xi32>
    %mul3A_586 = arith.constant 500 : i32
    %mul3A_587 = vector.broadcast %mul3A_586 : i32 to vector<1x500xi32>
    %mul3A_588 = arith.muli %slice3A_480, %mul3A_587 : vector<1x500xi32>
    %add3A_589 = arith.addi %mul3A_588, %slice3A_486 : vector<1x500xi32>
    %eq3A_590 = vector.broadcast %add3A_585 : vector<500x1xi32> to vector<500x500xi32>
    %eq3A_591 = vector.broadcast %add3A_589 : vector<1x500xi32> to vector<500x500xi32>
    %eq3A_592 = arith.cmpi eq, %eq3A_590, %eq3A_591 : vector<500x500xi32>
    %gt3A_593 = arith.cmpi sgt, %iota3A, %iota3A_18 : vector<500x500xi32>
    %and3A_594 = arith.andi %eq3A_592, %gt3A_593 : vector<500x500xi1>
    %convert_element_type3A_595 = arith.extui %and3A_594 : vector<500x500xi1> to vector<500x500xi32>
    %convert_element_type3A_596 = arith.sitofp %convert_element_type3A_595 : vector<500x500xi32> to vector<500x500xf32>
    %reduce_sum3A_597 = arith.constant dense<0.000000e+00> : vector<500xf32>
    %reduce_sum3A_598 = vector.multi_reduction <add>, %convert_element_type3A_596, %reduce_sum3A_597 [1] : vector<500x500xf32> to vector<500xf32>
    %broadcast_in_dim3A_599 = vector.shape_cast %reduce_sum3A_598 : vector<500xf32> to vector<500x1xf32>
    %gt3A_600 = arith.constant 0.000000e+00 : f32
    %gt3A_601 = vector.broadcast %gt3A_600 : f32 to vector<500x1xf32>
    %gt3A_602 = arith.cmpf ogt, %broadcast_in_dim3A_599, %gt3A_601 : vector<500x1xf32>
    %jit3A_603 = arith.constant 0.000000e+00 : f32
    %broadcast_in_dim3A_604 = vector.broadcast %jit3A_603 : f32 to vector<500x1xf32>
    %select_n3A_605 = arith.select %gt3A_602, %broadcast_in_dim3A_604, %div3A_581 : vector<500x1xi1>, vector<500x1xf32>
    %eq3A_606 = vector.broadcast %slice3A_480 : vector<1x500xi32> to vector<500x500xi32>
    %eq3A_607 = arith.cmpi eq, %iota3A_18, %eq3A_606 : vector<500x500xi32>
    %convert_element_type3A_608 = arith.extui %eq3A_607 : vector<500x500xi1> to vector<500x500xi32>
    %convert_element_type3A_609 = arith.sitofp %convert_element_type3A_608 : vector<500x500xi32> to vector<500x500xf32>
    %mul3A_610 = vector.broadcast %select_n3A_605 : vector<500x1xf32> to vector<500x500xf32>
    %mul3A_611 = arith.mulf %mul3A_610, %convert_element_type3A_494 : vector<500x500xf32>
    %dot_general3A_612 = arith.constant dense<0.000000e+00> : vector<500x500xf32>
    %dot_general3A_613 = tpu.matmul %convert_element_type3A_609, %mul3A_611, %dot_general3A_612 {dimension_numbers = #tpu.dot_dimension_numbers<[1], [0], [0], [1], [0, 0, 1, 1], [], []>, transpose_lhs_hint = false} : vector<500x500xf32>, vector<500x500xf32>, vector<500x500xf32> -> vector<500x500xf32>
    %add3A_614 = arith.addf %add3A_462, %dot_general3A_613 : vector<500x500xf32>
    %get3A_615 = arith.constant 0 : index
    %get3A_616 = arith.constant 0 : index
    %get3A_617 = arith.constant 0 : index
    %get3A_618 = vector.load %arg7[%get3A_615, %get3A_616, %get3A_617] : memref<1x500x8xi32, #tpu.memory_space<vmem>>, vector<1x500x8xi32>
    %get3A_619 = vector.shape_cast %get3A_618 : vector<1x500x8xi32> to vector<500x8xi32>
    %slice3A_620 = vector.extract_strided_slice %get3A_619 {offsets = [0, 4], sizes = [500, 1], strides = [1, 1]} : vector<500x8xi32> to vector<500x1xi32>
    %get3A_621 = arith.constant 0 : index
    %get3A_622 = arith.constant 0 : index
    %get3A_623 = arith.constant 0 : index
    %get3A_624 = vector.load %arg8[%get3A_621, %get3A_622, %get3A_623] : memref<1x500x8xi32, #tpu.memory_space<vmem>>, vector<1x500x8xi32>
    %get3A_625 = vector.shape_cast %get3A_624 : vector<1x500x8xi32> to vector<500x8xi32>
    %slice3A_626 = vector.extract_strided_slice %get3A_625 {offsets = [0, 4], sizes = [500, 1], strides = [1, 1]} : vector<500x8xi32> to vector<500x1xi32>
    %get3A_627 = arith.constant 0 : index
    %get3A_628 = arith.constant 0 : index
    %get3A_629 = arith.constant 0 : index
    %get3A_630 = vector.load %arg5[%get3A_627, %get3A_628, %get3A_629] : memref<1x8x500xi32, #tpu.memory_space<vmem>>, vector<1x8x500xi32>
    %get3A_631 = vector.shape_cast %get3A_630 : vector<1x8x500xi32> to vector<8x500xi32>
    %slice3A_632 = vector.extract_strided_slice %get3A_631 {offsets = [4, 0], sizes = [1, 500], strides = [1, 1]} : vector<8x500xi32> to vector<1x500xi32>
    %get3A_633 = arith.constant 0 : index
    %get3A_634 = arith.constant 0 : index
    %get3A_635 = arith.constant 0 : index
    %get3A_636 = vector.load %arg6[%get3A_633, %get3A_634, %get3A_635] : memref<1x8x500xi32, #tpu.memory_space<vmem>>, vector<1x8x500xi32>
    %get3A_637 = vector.shape_cast %get3A_636 : vector<1x8x500xi32> to vector<8x500xi32>
    %slice3A_638 = vector.extract_strided_slice %get3A_637 {offsets = [4, 0], sizes = [1, 500], strides = [1, 1]} : vector<8x500xi32> to vector<1x500xi32>
    %eq3A_639 = vector.broadcast %slice3A_620 : vector<500x1xi32> to vector<500x500xi32>
    %eq3A_640 = arith.cmpi eq, %iota3A, %eq3A_639 : vector<500x500xi32>
    %convert_element_type3A_641 = arith.extui %eq3A_640 : vector<500x500xi1> to vector<500x500xi32>
    %convert_element_type3A_642 = arith.sitofp %convert_element_type3A_641 : vector<500x500xi32> to vector<500x500xf32>
    %eq3A_643 = vector.broadcast %slice3A_626 : vector<500x1xi32> to vector<500x500xi32>
    %eq3A_644 = arith.cmpi eq, %iota3A, %eq3A_643 : vector<500x500xi32>
    %convert_element_type3A_645 = arith.extui %eq3A_644 : vector<500x500xi1> to vector<500x500xi32>
    %convert_element_type3A_646 = arith.sitofp %convert_element_type3A_645 : vector<500x500xi32> to vector<500x500xf32>
    %dot_general3A_647 = arith.constant dense<0.000000e+00> : vector<500x128xf32>
    %dot_general3A_648 = tpu.matmul %convert_element_type3A_642, %dot_general3A_12, %dot_general3A_647 {dimension_numbers = #tpu.dot_dimension_numbers<[1], [0], [0], [1], [0, 0, 1, 1], [], []>, transpose_lhs_hint = false} : vector<500x500xf32>, vector<500x128xf32>, vector<500x128xf32> -> vector<500x128xf32>
    %dot_general3A_649 = arith.constant dense<0.000000e+00> : vector<500x128xf32>
    %dot_general3A_650 = tpu.matmul %convert_element_type3A_646, %dot_general3A_17, %dot_general3A_649 {dimension_numbers = #tpu.dot_dimension_numbers<[1], [0], [0], [1], [0, 0, 1, 1], [], []>, transpose_lhs_hint = false} : vector<500x500xf32>, vector<500x128xf32>, vector<500x128xf32> -> vector<500x128xf32>
    %mul3A_651 = arith.mulf %dot_general3A_648, %dot_general3A_650 : vector<500x128xf32>
    %reshape3A_652 = vector.shape_cast %mul3A_651 : vector<500x128xf32> to vector<500x8x16xf32>
    %reduce_sum3A_653 = arith.constant dense<0.000000e+00> : vector<500x8xf32>
    %reduce_sum3A_654 = vector.multi_reduction <add>, %reshape3A_652, %reduce_sum3A_653 [2] : vector<500x8x16xf32> to vector<500x8xf32>
    %mul3A_655 = arith.constant 6.250000e-02 : f32
    %mul3A_656 = vector.broadcast %mul3A_655 : f32 to vector<500x8xf32>
    %mul3A_657 = arith.mulf %reduce_sum3A_654, %mul3A_656 : vector<500x8xf32>
    %get3A_658 = arith.constant 0 : index
    %get3A_659 = arith.constant 0 : index
    %get3A_660 = arith.constant 0 : index
    %get3A_661 = vector.load %arg2[%get3A_658, %get3A_659, %get3A_660] : memref<1x4096x128xf32, #tpu.memory_space<vmem>>, vector<1x4096x128xf32>
    %get3A_662 = vector.shape_cast %get3A_661 : vector<1x4096x128xf32> to vector<4096x128xf32>
    %slice3A_663 = vector.extract_strided_slice %get3A_662 {offsets = [2000, 0], sizes = [500, 128], strides = [1, 1]} : vector<4096x128xf32> to vector<500x128xf32>
    %get3A_664 = arith.constant 0 : index
    %get3A_665 = arith.constant 0 : index
    %get3A_666 = arith.constant 0 : index
    %get3A_667 = vector.load %arg3[%get3A_664, %get3A_665, %get3A_666] : memref<1x500x8xi32, #tpu.memory_space<vmem>>, vector<1x500x8xi32>
    %get3A_668 = vector.shape_cast %get3A_667 : vector<1x500x8xi32> to vector<500x8xi32>
    %slice3A_669 = vector.extract_strided_slice %get3A_668 {offsets = [0, 4], sizes = [500, 1], strides = [1, 1]} : vector<500x8xi32> to vector<500x1xi32>
    %iota3A_670 = tpu.iota {dimensions = array<i32: 1>} : vector<500x128xi32>
    %eq3A_671 = vector.broadcast %slice3A_669 : vector<500x1xi32> to vector<500x128xi32>
    %eq3A_672 = arith.cmpi eq, %eq3A_671, %iota3A_670 : vector<500x128xi32>
    %convert_element_type3A_673 = arith.extui %eq3A_672 : vector<500x128xi1> to vector<500x128xi32>
    %convert_element_type3A_674 = arith.sitofp %convert_element_type3A_673 : vector<500x128xi32> to vector<500x128xf32>
    %mul3A_675 = arith.mulf %slice3A_663, %convert_element_type3A_674 : vector<500x128xf32>
    %reduce_sum3A_676 = arith.constant dense<0.000000e+00> : vector<500xf32>
    %reduce_sum3A_677 = vector.multi_reduction <add>, %mul3A_675, %reduce_sum3A_676 [1] : vector<500x128xf32> to vector<500xf32>
    %broadcast_in_dim3A_678 = vector.shape_cast %reduce_sum3A_677 : vector<500xf32> to vector<500x1xf32>
    %broadcast_in_dim3A_679 = vector.shape_cast %mul3A_657 : vector<500x8xf32> to vector<500x8x1xf32>
    %get3A_680 = arith.constant 0 : index
    %get3A_681 = arith.constant 0 : index
    %get3A_682 = vector.load %arg12[%get3A_680, %get3A_681] : memref<8x16xf32, #tpu.memory_space<vmem>>, vector<8x16xf32>
    %broadcast_in_dim3A_683 = vector.shape_cast %get3A_682 : vector<8x16xf32> to vector<1x8x16xf32>
    %mul3A_684 = vector.broadcast %broadcast_in_dim3A_679 : vector<500x8x1xf32> to vector<500x8x16xf32>
    %mul3A_685 = vector.broadcast %broadcast_in_dim3A_683 : vector<1x8x16xf32> to vector<500x8x16xf32>
    %mul3A_686 = arith.mulf %mul3A_684, %mul3A_685 : vector<500x8x16xf32>
    %broadcast_in_dim3A_687 = vector.shape_cast %broadcast_in_dim3A_678 : vector<500x1xf32> to vector<500x1x1xf32>
    %get3A_688 = arith.constant 0 : index
    %get3A_689 = arith.constant 0 : index
    %get3A_690 = vector.load %arg13[%get3A_688, %get3A_689] : memref<8x16xf32, #tpu.memory_space<vmem>>, vector<8x16xf32>
    %broadcast_in_dim3A_691 = vector.shape_cast %get3A_690 : vector<8x16xf32> to vector<1x8x16xf32>
    %mul3A_692 = vector.broadcast %broadcast_in_dim3A_687 : vector<500x1x1xf32> to vector<500x8x16xf32>
    %mul3A_693 = vector.broadcast %broadcast_in_dim3A_691 : vector<1x8x16xf32> to vector<500x8x16xf32>
    %mul3A_694 = arith.mulf %mul3A_692, %mul3A_693 : vector<500x8x16xf32>
    %add3A_695 = arith.addf %mul3A_686, %mul3A_694 : vector<500x8x16xf32>
    %get3A_696 = arith.constant 0 : index
    %get3A_697 = arith.constant 0 : index
    %get3A_698 = vector.load %arg14[%get3A_696, %get3A_697] : memref<8x16xf32, #tpu.memory_space<vmem>>, vector<8x16xf32>
    %broadcast_in_dim3A_699 = vector.shape_cast %get3A_698 : vector<8x16xf32> to vector<1x8x16xf32>
    %add3A_700 = vector.broadcast %broadcast_in_dim3A_699 : vector<1x8x16xf32> to vector<500x8x16xf32>
    %add3A_701 = arith.addf %add3A_695, %add3A_700 : vector<500x8x16xf32>
    %max3A_702 = arith.constant 0.000000e+00 : f32
    %max3A_703 = vector.broadcast %max3A_702 : f32 to vector<500x8x16xf32>
    %max3A_704 = arith.maximumf %add3A_701, %max3A_703 : vector<500x8x16xf32>
    %get3A_705 = arith.constant 0 : index
    %get3A_706 = arith.constant 0 : index
    %get3A_707 = vector.load %arg15[%get3A_705, %get3A_706] : memref<8x16xf32, #tpu.memory_space<vmem>>, vector<8x16xf32>
    %broadcast_in_dim3A_708 = vector.shape_cast %get3A_707 : vector<8x16xf32> to vector<1x8x16xf32>
    %mul3A_709 = vector.broadcast %broadcast_in_dim3A_708 : vector<1x8x16xf32> to vector<500x8x16xf32>
    %mul3A_710 = arith.mulf %max3A_704, %mul3A_709 : vector<500x8x16xf32>
    %reduce_sum3A_711 = arith.constant dense<0.000000e+00> : vector<500x8xf32>
    %reduce_sum3A_712 = vector.multi_reduction <add>, %mul3A_710, %reduce_sum3A_711 [2] : vector<500x8x16xf32> to vector<500x8xf32>
    %get3A_713 = arith.constant 0 : index
    %get3A_714 = arith.constant 0 : index
    %get3A_715 = vector.load %arg16[%get3A_713, %get3A_714] : memref<1x8xf32, #tpu.memory_space<vmem>>, vector<1x8xf32>
    %add3A_716 = vector.broadcast %get3A_715 : vector<1x8xf32> to vector<500x8xf32>
    %add3A_717 = arith.addf %reduce_sum3A_712, %add3A_716 : vector<500x8xf32>
    %get3A_718 = arith.constant 0 : index
    %get3A_719 = arith.constant 0 : index
    %get3A_720 = vector.load %arg17[%get3A_718, %get3A_719] : memref<1x8xf32, #tpu.memory_space<vmem>>, vector<1x8xf32>
    %mul3A_721 = vector.broadcast %get3A_720 : vector<1x8xf32> to vector<500x8xf32>
    %mul3A_722 = arith.mulf %add3A_717, %mul3A_721 : vector<500x8xf32>
    %reduce_sum3A_723 = arith.constant dense<0.000000e+00> : vector<500xf32>
    %reduce_sum3A_724 = vector.multi_reduction <add>, %mul3A_722, %reduce_sum3A_723 [1] : vector<500x8xf32> to vector<500xf32>
    %broadcast_in_dim3A_725 = vector.shape_cast %reduce_sum3A_724 : vector<500xf32> to vector<500x1xf32>
    %get3A_726 = arith.constant 0 : index
    %get3A_727 = arith.constant 0 : index
    %get3A_728 = arith.constant 0 : index
    %get3A_729 = vector.load %arg9[%get3A_726, %get3A_727, %get3A_728] : memref<1x1x8xf32, #tpu.memory_space<vmem>>, vector<1x1x8xf32>
    %get3A_730 = vector.shape_cast %get3A_729 : vector<1x1x8xf32> to vector<1x8xf32>
    %slice3A_731 = vector.extract_strided_slice %get3A_730 {offsets = [0, 4], sizes = [1, 1], strides = [1, 1]} : vector<1x8xf32> to vector<1x1xf32>
    %div3A_732 = vector.broadcast %slice3A_731 : vector<1x1xf32> to vector<500x1xf32>
    %div3A_733 = arith.divf %broadcast_in_dim3A_725, %div3A_732 : vector<500x1xf32>
    %mul3A_734 = arith.constant 500 : i32
    %mul3A_735 = vector.broadcast %mul3A_734 : i32 to vector<500x1xi32>
    %mul3A_736 = arith.muli %slice3A_620, %mul3A_735 : vector<500x1xi32>
    %add3A_737 = arith.addi %mul3A_736, %slice3A_626 : vector<500x1xi32>
    %mul3A_738 = arith.constant 500 : i32
    %mul3A_739 = vector.broadcast %mul3A_738 : i32 to vector<1x500xi32>
    %mul3A_740 = arith.muli %slice3A_632, %mul3A_739 : vector<1x500xi32>
    %add3A_741 = arith.addi %mul3A_740, %slice3A_638 : vector<1x500xi32>
    %eq3A_742 = vector.broadcast %add3A_737 : vector<500x1xi32> to vector<500x500xi32>
    %eq3A_743 = vector.broadcast %add3A_741 : vector<1x500xi32> to vector<500x500xi32>
    %eq3A_744 = arith.cmpi eq, %eq3A_742, %eq3A_743 : vector<500x500xi32>
    %gt3A_745 = arith.cmpi sgt, %iota3A, %iota3A_18 : vector<500x500xi32>
    %and3A_746 = arith.andi %eq3A_744, %gt3A_745 : vector<500x500xi1>
    %convert_element_type3A_747 = arith.extui %and3A_746 : vector<500x500xi1> to vector<500x500xi32>
    %convert_element_type3A_748 = arith.sitofp %convert_element_type3A_747 : vector<500x500xi32> to vector<500x500xf32>
    %reduce_sum3A_749 = arith.constant dense<0.000000e+00> : vector<500xf32>
    %reduce_sum3A_750 = vector.multi_reduction <add>, %convert_element_type3A_748, %reduce_sum3A_749 [1] : vector<500x500xf32> to vector<500xf32>
    %broadcast_in_dim3A_751 = vector.shape_cast %reduce_sum3A_750 : vector<500xf32> to vector<500x1xf32>
    %gt3A_752 = arith.constant 0.000000e+00 : f32
    %gt3A_753 = vector.broadcast %gt3A_752 : f32 to vector<500x1xf32>
    %gt3A_754 = arith.cmpf ogt, %broadcast_in_dim3A_751, %gt3A_753 : vector<500x1xf32>
    %jit3A_755 = arith.constant 0.000000e+00 : f32
    %broadcast_in_dim3A_756 = vector.broadcast %jit3A_755 : f32 to vector<500x1xf32>
    %select_n3A_757 = arith.select %gt3A_754, %broadcast_in_dim3A_756, %div3A_733 : vector<500x1xi1>, vector<500x1xf32>
    %eq3A_758 = vector.broadcast %slice3A_632 : vector<1x500xi32> to vector<500x500xi32>
    %eq3A_759 = arith.cmpi eq, %iota3A_18, %eq3A_758 : vector<500x500xi32>
    %convert_element_type3A_760 = arith.extui %eq3A_759 : vector<500x500xi1> to vector<500x500xi32>
    %convert_element_type3A_761 = arith.sitofp %convert_element_type3A_760 : vector<500x500xi32> to vector<500x500xf32>
    %mul3A_762 = vector.broadcast %select_n3A_757 : vector<500x1xf32> to vector<500x500xf32>
    %mul3A_763 = arith.mulf %mul3A_762, %convert_element_type3A_646 : vector<500x500xf32>
    %dot_general3A_764 = arith.constant dense<0.000000e+00> : vector<500x500xf32>
    %dot_general3A_765 = tpu.matmul %convert_element_type3A_761, %mul3A_763, %dot_general3A_764 {dimension_numbers = #tpu.dot_dimension_numbers<[1], [0], [0], [1], [0, 0, 1, 1], [], []>, transpose_lhs_hint = false} : vector<500x500xf32>, vector<500x500xf32>, vector<500x500xf32> -> vector<500x500xf32>
    %add3A_766 = arith.addf %add3A_614, %dot_general3A_765 : vector<500x500xf32>
    %get3A_767 = arith.constant 0 : index
    %get3A_768 = arith.constant 0 : index
    %get3A_769 = arith.constant 0 : index
    %get3A_770 = vector.load %arg7[%get3A_767, %get3A_768, %get3A_769] : memref<1x500x8xi32, #tpu.memory_space<vmem>>, vector<1x500x8xi32>
    %get3A_771 = vector.shape_cast %get3A_770 : vector<1x500x8xi32> to vector<500x8xi32>
    %slice3A_772 = vector.extract_strided_slice %get3A_771 {offsets = [0, 5], sizes = [500, 1], strides = [1, 1]} : vector<500x8xi32> to vector<500x1xi32>
    %get3A_773 = arith.constant 0 : index
    %get3A_774 = arith.constant 0 : index
    %get3A_775 = arith.constant 0 : index
    %get3A_776 = vector.load %arg8[%get3A_773, %get3A_774, %get3A_775] : memref<1x500x8xi32, #tpu.memory_space<vmem>>, vector<1x500x8xi32>
    %get3A_777 = vector.shape_cast %get3A_776 : vector<1x500x8xi32> to vector<500x8xi32>
    %slice3A_778 = vector.extract_strided_slice %get3A_777 {offsets = [0, 5], sizes = [500, 1], strides = [1, 1]} : vector<500x8xi32> to vector<500x1xi32>
    %get3A_779 = arith.constant 0 : index
    %get3A_780 = arith.constant 0 : index
    %get3A_781 = arith.constant 0 : index
    %get3A_782 = vector.load %arg5[%get3A_779, %get3A_780, %get3A_781] : memref<1x8x500xi32, #tpu.memory_space<vmem>>, vector<1x8x500xi32>
    %get3A_783 = vector.shape_cast %get3A_782 : vector<1x8x500xi32> to vector<8x500xi32>
    %slice3A_784 = vector.extract_strided_slice %get3A_783 {offsets = [5, 0], sizes = [1, 500], strides = [1, 1]} : vector<8x500xi32> to vector<1x500xi32>
    %get3A_785 = arith.constant 0 : index
    %get3A_786 = arith.constant 0 : index
    %get3A_787 = arith.constant 0 : index
    %get3A_788 = vector.load %arg6[%get3A_785, %get3A_786, %get3A_787] : memref<1x8x500xi32, #tpu.memory_space<vmem>>, vector<1x8x500xi32>
    %get3A_789 = vector.shape_cast %get3A_788 : vector<1x8x500xi32> to vector<8x500xi32>
    %slice3A_790 = vector.extract_strided_slice %get3A_789 {offsets = [5, 0], sizes = [1, 500], strides = [1, 1]} : vector<8x500xi32> to vector<1x500xi32>
    %eq3A_791 = vector.broadcast %slice3A_772 : vector<500x1xi32> to vector<500x500xi32>
    %eq3A_792 = arith.cmpi eq, %iota3A, %eq3A_791 : vector<500x500xi32>
    %convert_element_type3A_793 = arith.extui %eq3A_792 : vector<500x500xi1> to vector<500x500xi32>
    %convert_element_type3A_794 = arith.sitofp %convert_element_type3A_793 : vector<500x500xi32> to vector<500x500xf32>
    %eq3A_795 = vector.broadcast %slice3A_778 : vector<500x1xi32> to vector<500x500xi32>
    %eq3A_796 = arith.cmpi eq, %iota3A, %eq3A_795 : vector<500x500xi32>
    %convert_element_type3A_797 = arith.extui %eq3A_796 : vector<500x500xi1> to vector<500x500xi32>
    %convert_element_type3A_798 = arith.sitofp %convert_element_type3A_797 : vector<500x500xi32> to vector<500x500xf32>
    %dot_general3A_799 = arith.constant dense<0.000000e+00> : vector<500x128xf32>
    %dot_general3A_800 = tpu.matmul %convert_element_type3A_794, %dot_general3A_12, %dot_general3A_799 {dimension_numbers = #tpu.dot_dimension_numbers<[1], [0], [0], [1], [0, 0, 1, 1], [], []>, transpose_lhs_hint = false} : vector<500x500xf32>, vector<500x128xf32>, vector<500x128xf32> -> vector<500x128xf32>
    %dot_general3A_801 = arith.constant dense<0.000000e+00> : vector<500x128xf32>
    %dot_general3A_802 = tpu.matmul %convert_element_type3A_798, %dot_general3A_17, %dot_general3A_801 {dimension_numbers = #tpu.dot_dimension_numbers<[1], [0], [0], [1], [0, 0, 1, 1], [], []>, transpose_lhs_hint = false} : vector<500x500xf32>, vector<500x128xf32>, vector<500x128xf32> -> vector<500x128xf32>
    %mul3A_803 = arith.mulf %dot_general3A_800, %dot_general3A_802 : vector<500x128xf32>
    %reshape3A_804 = vector.shape_cast %mul3A_803 : vector<500x128xf32> to vector<500x8x16xf32>
    %reduce_sum3A_805 = arith.constant dense<0.000000e+00> : vector<500x8xf32>
    %reduce_sum3A_806 = vector.multi_reduction <add>, %reshape3A_804, %reduce_sum3A_805 [2] : vector<500x8x16xf32> to vector<500x8xf32>
    %mul3A_807 = arith.constant 6.250000e-02 : f32
    %mul3A_808 = vector.broadcast %mul3A_807 : f32 to vector<500x8xf32>
    %mul3A_809 = arith.mulf %reduce_sum3A_806, %mul3A_808 : vector<500x8xf32>
    %get3A_810 = arith.constant 0 : index
    %get3A_811 = arith.constant 0 : index
    %get3A_812 = arith.constant 0 : index
    %get3A_813 = vector.load %arg2[%get3A_810, %get3A_811, %get3A_812] : memref<1x4096x128xf32, #tpu.memory_space<vmem>>, vector<1x4096x128xf32>
    %get3A_814 = vector.shape_cast %get3A_813 : vector<1x4096x128xf32> to vector<4096x128xf32>
    %slice3A_815 = vector.extract_strided_slice %get3A_814 {offsets = [2500, 0], sizes = [500, 128], strides = [1, 1]} : vector<4096x128xf32> to vector<500x128xf32>
    %get3A_816 = arith.constant 0 : index
    %get3A_817 = arith.constant 0 : index
    %get3A_818 = arith.constant 0 : index
    %get3A_819 = vector.load %arg3[%get3A_816, %get3A_817, %get3A_818] : memref<1x500x8xi32, #tpu.memory_space<vmem>>, vector<1x500x8xi32>
    %get3A_820 = vector.shape_cast %get3A_819 : vector<1x500x8xi32> to vector<500x8xi32>
    %slice3A_821 = vector.extract_strided_slice %get3A_820 {offsets = [0, 5], sizes = [500, 1], strides = [1, 1]} : vector<500x8xi32> to vector<500x1xi32>
    %iota3A_822 = tpu.iota {dimensions = array<i32: 1>} : vector<500x128xi32>
    %eq3A_823 = vector.broadcast %slice3A_821 : vector<500x1xi32> to vector<500x128xi32>
    %eq3A_824 = arith.cmpi eq, %eq3A_823, %iota3A_822 : vector<500x128xi32>
    %convert_element_type3A_825 = arith.extui %eq3A_824 : vector<500x128xi1> to vector<500x128xi32>
    %convert_element_type3A_826 = arith.sitofp %convert_element_type3A_825 : vector<500x128xi32> to vector<500x128xf32>
    %mul3A_827 = arith.mulf %slice3A_815, %convert_element_type3A_826 : vector<500x128xf32>
    %reduce_sum3A_828 = arith.constant dense<0.000000e+00> : vector<500xf32>
    %reduce_sum3A_829 = vector.multi_reduction <add>, %mul3A_827, %reduce_sum3A_828 [1] : vector<500x128xf32> to vector<500xf32>
    %broadcast_in_dim3A_830 = vector.shape_cast %reduce_sum3A_829 : vector<500xf32> to vector<500x1xf32>
    %broadcast_in_dim3A_831 = vector.shape_cast %mul3A_809 : vector<500x8xf32> to vector<500x8x1xf32>
    %get3A_832 = arith.constant 0 : index
    %get3A_833 = arith.constant 0 : index
    %get3A_834 = vector.load %arg12[%get3A_832, %get3A_833] : memref<8x16xf32, #tpu.memory_space<vmem>>, vector<8x16xf32>
    %broadcast_in_dim3A_835 = vector.shape_cast %get3A_834 : vector<8x16xf32> to vector<1x8x16xf32>
    %mul3A_836 = vector.broadcast %broadcast_in_dim3A_831 : vector<500x8x1xf32> to vector<500x8x16xf32>
    %mul3A_837 = vector.broadcast %broadcast_in_dim3A_835 : vector<1x8x16xf32> to vector<500x8x16xf32>
    %mul3A_838 = arith.mulf %mul3A_836, %mul3A_837 : vector<500x8x16xf32>
    %broadcast_in_dim3A_839 = vector.shape_cast %broadcast_in_dim3A_830 : vector<500x1xf32> to vector<500x1x1xf32>
    %get3A_840 = arith.constant 0 : index
    %get3A_841 = arith.constant 0 : index
    %get3A_842 = vector.load %arg13[%get3A_840, %get3A_841] : memref<8x16xf32, #tpu.memory_space<vmem>>, vector<8x16xf32>
    %broadcast_in_dim3A_843 = vector.shape_cast %get3A_842 : vector<8x16xf32> to vector<1x8x16xf32>
    %mul3A_844 = vector.broadcast %broadcast_in_dim3A_839 : vector<500x1x1xf32> to vector<500x8x16xf32>
    %mul3A_845 = vector.broadcast %broadcast_in_dim3A_843 : vector<1x8x16xf32> to vector<500x8x16xf32>
    %mul3A_846 = arith.mulf %mul3A_844, %mul3A_845 : vector<500x8x16xf32>
    %add3A_847 = arith.addf %mul3A_838, %mul3A_846 : vector<500x8x16xf32>
    %get3A_848 = arith.constant 0 : index
    %get3A_849 = arith.constant 0 : index
    %get3A_850 = vector.load %arg14[%get3A_848, %get3A_849] : memref<8x16xf32, #tpu.memory_space<vmem>>, vector<8x16xf32>
    %broadcast_in_dim3A_851 = vector.shape_cast %get3A_850 : vector<8x16xf32> to vector<1x8x16xf32>
    %add3A_852 = vector.broadcast %broadcast_in_dim3A_851 : vector<1x8x16xf32> to vector<500x8x16xf32>
    %add3A_853 = arith.addf %add3A_847, %add3A_852 : vector<500x8x16xf32>
    %max3A_854 = arith.constant 0.000000e+00 : f32
    %max3A_855 = vector.broadcast %max3A_854 : f32 to vector<500x8x16xf32>
    %max3A_856 = arith.maximumf %add3A_853, %max3A_855 : vector<500x8x16xf32>
    %get3A_857 = arith.constant 0 : index
    %get3A_858 = arith.constant 0 : index
    %get3A_859 = vector.load %arg15[%get3A_857, %get3A_858] : memref<8x16xf32, #tpu.memory_space<vmem>>, vector<8x16xf32>
    %broadcast_in_dim3A_860 = vector.shape_cast %get3A_859 : vector<8x16xf32> to vector<1x8x16xf32>
    %mul3A_861 = vector.broadcast %broadcast_in_dim3A_860 : vector<1x8x16xf32> to vector<500x8x16xf32>
    %mul3A_862 = arith.mulf %max3A_856, %mul3A_861 : vector<500x8x16xf32>
    %reduce_sum3A_863 = arith.constant dense<0.000000e+00> : vector<500x8xf32>
    %reduce_sum3A_864 = vector.multi_reduction <add>, %mul3A_862, %reduce_sum3A_863 [2] : vector<500x8x16xf32> to vector<500x8xf32>
    %get3A_865 = arith.constant 0 : index
    %get3A_866 = arith.constant 0 : index
    %get3A_867 = vector.load %arg16[%get3A_865, %get3A_866] : memref<1x8xf32, #tpu.memory_space<vmem>>, vector<1x8xf32>
    %add3A_868 = vector.broadcast %get3A_867 : vector<1x8xf32> to vector<500x8xf32>
    %add3A_869 = arith.addf %reduce_sum3A_864, %add3A_868 : vector<500x8xf32>
    %get3A_870 = arith.constant 0 : index
    %get3A_871 = arith.constant 0 : index
    %get3A_872 = vector.load %arg17[%get3A_870, %get3A_871] : memref<1x8xf32, #tpu.memory_space<vmem>>, vector<1x8xf32>
    %mul3A_873 = vector.broadcast %get3A_872 : vector<1x8xf32> to vector<500x8xf32>
    %mul3A_874 = arith.mulf %add3A_869, %mul3A_873 : vector<500x8xf32>
    %reduce_sum3A_875 = arith.constant dense<0.000000e+00> : vector<500xf32>
    %reduce_sum3A_876 = vector.multi_reduction <add>, %mul3A_874, %reduce_sum3A_875 [1] : vector<500x8xf32> to vector<500xf32>
    %broadcast_in_dim3A_877 = vector.shape_cast %reduce_sum3A_876 : vector<500xf32> to vector<500x1xf32>
    %get3A_878 = arith.constant 0 : index
    %get3A_879 = arith.constant 0 : index
    %get3A_880 = arith.constant 0 : index
    %get3A_881 = vector.load %arg9[%get3A_878, %get3A_879, %get3A_880] : memref<1x1x8xf32, #tpu.memory_space<vmem>>, vector<1x1x8xf32>
    %get3A_882 = vector.shape_cast %get3A_881 : vector<1x1x8xf32> to vector<1x8xf32>
    %slice3A_883 = vector.extract_strided_slice %get3A_882 {offsets = [0, 5], sizes = [1, 1], strides = [1, 1]} : vector<1x8xf32> to vector<1x1xf32>
    %div3A_884 = vector.broadcast %slice3A_883 : vector<1x1xf32> to vector<500x1xf32>
    %div3A_885 = arith.divf %broadcast_in_dim3A_877, %div3A_884 : vector<500x1xf32>
    %mul3A_886 = arith.constant 500 : i32
    %mul3A_887 = vector.broadcast %mul3A_886 : i32 to vector<500x1xi32>
    %mul3A_888 = arith.muli %slice3A_772, %mul3A_887 : vector<500x1xi32>
    %add3A_889 = arith.addi %mul3A_888, %slice3A_778 : vector<500x1xi32>
    %mul3A_890 = arith.constant 500 : i32
    %mul3A_891 = vector.broadcast %mul3A_890 : i32 to vector<1x500xi32>
    %mul3A_892 = arith.muli %slice3A_784, %mul3A_891 : vector<1x500xi32>
    %add3A_893 = arith.addi %mul3A_892, %slice3A_790 : vector<1x500xi32>
    %eq3A_894 = vector.broadcast %add3A_889 : vector<500x1xi32> to vector<500x500xi32>
    %eq3A_895 = vector.broadcast %add3A_893 : vector<1x500xi32> to vector<500x500xi32>
    %eq3A_896 = arith.cmpi eq, %eq3A_894, %eq3A_895 : vector<500x500xi32>
    %gt3A_897 = arith.cmpi sgt, %iota3A, %iota3A_18 : vector<500x500xi32>
    %and3A_898 = arith.andi %eq3A_896, %gt3A_897 : vector<500x500xi1>
    %convert_element_type3A_899 = arith.extui %and3A_898 : vector<500x500xi1> to vector<500x500xi32>
    %convert_element_type3A_900 = arith.sitofp %convert_element_type3A_899 : vector<500x500xi32> to vector<500x500xf32>
    %reduce_sum3A_901 = arith.constant dense<0.000000e+00> : vector<500xf32>
    %reduce_sum3A_902 = vector.multi_reduction <add>, %convert_element_type3A_900, %reduce_sum3A_901 [1] : vector<500x500xf32> to vector<500xf32>
    %broadcast_in_dim3A_903 = vector.shape_cast %reduce_sum3A_902 : vector<500xf32> to vector<500x1xf32>
    %gt3A_904 = arith.constant 0.000000e+00 : f32
    %gt3A_905 = vector.broadcast %gt3A_904 : f32 to vector<500x1xf32>
    %gt3A_906 = arith.cmpf ogt, %broadcast_in_dim3A_903, %gt3A_905 : vector<500x1xf32>
    %jit3A_907 = arith.constant 0.000000e+00 : f32
    %broadcast_in_dim3A_908 = vector.broadcast %jit3A_907 : f32 to vector<500x1xf32>
    %select_n3A_909 = arith.select %gt3A_906, %broadcast_in_dim3A_908, %div3A_885 : vector<500x1xi1>, vector<500x1xf32>
    %eq3A_910 = vector.broadcast %slice3A_784 : vector<1x500xi32> to vector<500x500xi32>
    %eq3A_911 = arith.cmpi eq, %iota3A_18, %eq3A_910 : vector<500x500xi32>
    %convert_element_type3A_912 = arith.extui %eq3A_911 : vector<500x500xi1> to vector<500x500xi32>
    %convert_element_type3A_913 = arith.sitofp %convert_element_type3A_912 : vector<500x500xi32> to vector<500x500xf32>
    %mul3A_914 = vector.broadcast %select_n3A_909 : vector<500x1xf32> to vector<500x500xf32>
    %mul3A_915 = arith.mulf %mul3A_914, %convert_element_type3A_798 : vector<500x500xf32>
    %dot_general3A_916 = arith.constant dense<0.000000e+00> : vector<500x500xf32>
    %dot_general3A_917 = tpu.matmul %convert_element_type3A_913, %mul3A_915, %dot_general3A_916 {dimension_numbers = #tpu.dot_dimension_numbers<[1], [0], [0], [1], [0, 0, 1, 1], [], []>, transpose_lhs_hint = false} : vector<500x500xf32>, vector<500x500xf32>, vector<500x500xf32> -> vector<500x500xf32>
    %add3A_918 = arith.addf %add3A_766, %dot_general3A_917 : vector<500x500xf32>
    %get3A_919 = arith.constant 0 : index
    %get3A_920 = arith.constant 0 : index
    %get3A_921 = arith.constant 0 : index
    %get3A_922 = vector.load %arg7[%get3A_919, %get3A_920, %get3A_921] : memref<1x500x8xi32, #tpu.memory_space<vmem>>, vector<1x500x8xi32>
    %get3A_923 = vector.shape_cast %get3A_922 : vector<1x500x8xi32> to vector<500x8xi32>
    %slice3A_924 = vector.extract_strided_slice %get3A_923 {offsets = [0, 6], sizes = [500, 1], strides = [1, 1]} : vector<500x8xi32> to vector<500x1xi32>
    %get3A_925 = arith.constant 0 : index
    %get3A_926 = arith.constant 0 : index
    %get3A_927 = arith.constant 0 : index
    %get3A_928 = vector.load %arg8[%get3A_925, %get3A_926, %get3A_927] : memref<1x500x8xi32, #tpu.memory_space<vmem>>, vector<1x500x8xi32>
    %get3A_929 = vector.shape_cast %get3A_928 : vector<1x500x8xi32> to vector<500x8xi32>
    %slice3A_930 = vector.extract_strided_slice %get3A_929 {offsets = [0, 6], sizes = [500, 1], strides = [1, 1]} : vector<500x8xi32> to vector<500x1xi32>
    %get3A_931 = arith.constant 0 : index
    %get3A_932 = arith.constant 0 : index
    %get3A_933 = arith.constant 0 : index
    %get3A_934 = vector.load %arg5[%get3A_931, %get3A_932, %get3A_933] : memref<1x8x500xi32, #tpu.memory_space<vmem>>, vector<1x8x500xi32>
    %get3A_935 = vector.shape_cast %get3A_934 : vector<1x8x500xi32> to vector<8x500xi32>
    %slice3A_936 = vector.extract_strided_slice %get3A_935 {offsets = [6, 0], sizes = [1, 500], strides = [1, 1]} : vector<8x500xi32> to vector<1x500xi32>
    %get3A_937 = arith.constant 0 : index
    %get3A_938 = arith.constant 0 : index
    %get3A_939 = arith.constant 0 : index
    %get3A_940 = vector.load %arg6[%get3A_937, %get3A_938, %get3A_939] : memref<1x8x500xi32, #tpu.memory_space<vmem>>, vector<1x8x500xi32>
    %get3A_941 = vector.shape_cast %get3A_940 : vector<1x8x500xi32> to vector<8x500xi32>
    %slice3A_942 = vector.extract_strided_slice %get3A_941 {offsets = [6, 0], sizes = [1, 500], strides = [1, 1]} : vector<8x500xi32> to vector<1x500xi32>
    %eq3A_943 = vector.broadcast %slice3A_924 : vector<500x1xi32> to vector<500x500xi32>
    %eq3A_944 = arith.cmpi eq, %iota3A, %eq3A_943 : vector<500x500xi32>
    %convert_element_type3A_945 = arith.extui %eq3A_944 : vector<500x500xi1> to vector<500x500xi32>
    %convert_element_type3A_946 = arith.sitofp %convert_element_type3A_945 : vector<500x500xi32> to vector<500x500xf32>
    %eq3A_947 = vector.broadcast %slice3A_930 : vector<500x1xi32> to vector<500x500xi32>
    %eq3A_948 = arith.cmpi eq, %iota3A, %eq3A_947 : vector<500x500xi32>
    %convert_element_type3A_949 = arith.extui %eq3A_948 : vector<500x500xi1> to vector<500x500xi32>
    %convert_element_type3A_950 = arith.sitofp %convert_element_type3A_949 : vector<500x500xi32> to vector<500x500xf32>
    %dot_general3A_951 = arith.constant dense<0.000000e+00> : vector<500x128xf32>
    %dot_general3A_952 = tpu.matmul %convert_element_type3A_946, %dot_general3A_12, %dot_general3A_951 {dimension_numbers = #tpu.dot_dimension_numbers<[1], [0], [0], [1], [0, 0, 1, 1], [], []>, transpose_lhs_hint = false} : vector<500x500xf32>, vector<500x128xf32>, vector<500x128xf32> -> vector<500x128xf32>
    %dot_general3A_953 = arith.constant dense<0.000000e+00> : vector<500x128xf32>
    %dot_general3A_954 = tpu.matmul %convert_element_type3A_950, %dot_general3A_17, %dot_general3A_953 {dimension_numbers = #tpu.dot_dimension_numbers<[1], [0], [0], [1], [0, 0, 1, 1], [], []>, transpose_lhs_hint = false} : vector<500x500xf32>, vector<500x128xf32>, vector<500x128xf32> -> vector<500x128xf32>
    %mul3A_955 = arith.mulf %dot_general3A_952, %dot_general3A_954 : vector<500x128xf32>
    %reshape3A_956 = vector.shape_cast %mul3A_955 : vector<500x128xf32> to vector<500x8x16xf32>
    %reduce_sum3A_957 = arith.constant dense<0.000000e+00> : vector<500x8xf32>
    %reduce_sum3A_958 = vector.multi_reduction <add>, %reshape3A_956, %reduce_sum3A_957 [2] : vector<500x8x16xf32> to vector<500x8xf32>
    %mul3A_959 = arith.constant 6.250000e-02 : f32
    %mul3A_960 = vector.broadcast %mul3A_959 : f32 to vector<500x8xf32>
    %mul3A_961 = arith.mulf %reduce_sum3A_958, %mul3A_960 : vector<500x8xf32>
    %get3A_962 = arith.constant 0 : index
    %get3A_963 = arith.constant 0 : index
    %get3A_964 = arith.constant 0 : index
    %get3A_965 = vector.load %arg2[%get3A_962, %get3A_963, %get3A_964] : memref<1x4096x128xf32, #tpu.memory_space<vmem>>, vector<1x4096x128xf32>
    %get3A_966 = vector.shape_cast %get3A_965 : vector<1x4096x128xf32> to vector<4096x128xf32>
    %slice3A_967 = vector.extract_strided_slice %get3A_966 {offsets = [3000, 0], sizes = [500, 128], strides = [1, 1]} : vector<4096x128xf32> to vector<500x128xf32>
    %get3A_968 = arith.constant 0 : index
    %get3A_969 = arith.constant 0 : index
    %get3A_970 = arith.constant 0 : index
    %get3A_971 = vector.load %arg3[%get3A_968, %get3A_969, %get3A_970] : memref<1x500x8xi32, #tpu.memory_space<vmem>>, vector<1x500x8xi32>
    %get3A_972 = vector.shape_cast %get3A_971 : vector<1x500x8xi32> to vector<500x8xi32>
    %slice3A_973 = vector.extract_strided_slice %get3A_972 {offsets = [0, 6], sizes = [500, 1], strides = [1, 1]} : vector<500x8xi32> to vector<500x1xi32>
    %iota3A_974 = tpu.iota {dimensions = array<i32: 1>} : vector<500x128xi32>
    %eq3A_975 = vector.broadcast %slice3A_973 : vector<500x1xi32> to vector<500x128xi32>
    %eq3A_976 = arith.cmpi eq, %eq3A_975, %iota3A_974 : vector<500x128xi32>
    %convert_element_type3A_977 = arith.extui %eq3A_976 : vector<500x128xi1> to vector<500x128xi32>
    %convert_element_type3A_978 = arith.sitofp %convert_element_type3A_977 : vector<500x128xi32> to vector<500x128xf32>
    %mul3A_979 = arith.mulf %slice3A_967, %convert_element_type3A_978 : vector<500x128xf32>
    %reduce_sum3A_980 = arith.constant dense<0.000000e+00> : vector<500xf32>
    %reduce_sum3A_981 = vector.multi_reduction <add>, %mul3A_979, %reduce_sum3A_980 [1] : vector<500x128xf32> to vector<500xf32>
    %broadcast_in_dim3A_982 = vector.shape_cast %reduce_sum3A_981 : vector<500xf32> to vector<500x1xf32>
    %broadcast_in_dim3A_983 = vector.shape_cast %mul3A_961 : vector<500x8xf32> to vector<500x8x1xf32>
    %get3A_984 = arith.constant 0 : index
    %get3A_985 = arith.constant 0 : index
    %get3A_986 = vector.load %arg12[%get3A_984, %get3A_985] : memref<8x16xf32, #tpu.memory_space<vmem>>, vector<8x16xf32>
    %broadcast_in_dim3A_987 = vector.shape_cast %get3A_986 : vector<8x16xf32> to vector<1x8x16xf32>
    %mul3A_988 = vector.broadcast %broadcast_in_dim3A_983 : vector<500x8x1xf32> to vector<500x8x16xf32>
    %mul3A_989 = vector.broadcast %broadcast_in_dim3A_987 : vector<1x8x16xf32> to vector<500x8x16xf32>
    %mul3A_990 = arith.mulf %mul3A_988, %mul3A_989 : vector<500x8x16xf32>
    %broadcast_in_dim3A_991 = vector.shape_cast %broadcast_in_dim3A_982 : vector<500x1xf32> to vector<500x1x1xf32>
    %get3A_992 = arith.constant 0 : index
    %get3A_993 = arith.constant 0 : index
    %get3A_994 = vector.load %arg13[%get3A_992, %get3A_993] : memref<8x16xf32, #tpu.memory_space<vmem>>, vector<8x16xf32>
    %broadcast_in_dim3A_995 = vector.shape_cast %get3A_994 : vector<8x16xf32> to vector<1x8x16xf32>
    %mul3A_996 = vector.broadcast %broadcast_in_dim3A_991 : vector<500x1x1xf32> to vector<500x8x16xf32>
    %mul3A_997 = vector.broadcast %broadcast_in_dim3A_995 : vector<1x8x16xf32> to vector<500x8x16xf32>
    %mul3A_998 = arith.mulf %mul3A_996, %mul3A_997 : vector<500x8x16xf32>
    %add3A_999 = arith.addf %mul3A_990, %mul3A_998 : vector<500x8x16xf32>
    %get3A_1000 = arith.constant 0 : index
    %get3A_1001 = arith.constant 0 : index
    %get3A_1002 = vector.load %arg14[%get3A_1000, %get3A_1001] : memref<8x16xf32, #tpu.memory_space<vmem>>, vector<8x16xf32>
    %broadcast_in_dim3A_1003 = vector.shape_cast %get3A_1002 : vector<8x16xf32> to vector<1x8x16xf32>
    %add3A_1004 = vector.broadcast %broadcast_in_dim3A_1003 : vector<1x8x16xf32> to vector<500x8x16xf32>
    %add3A_1005 = arith.addf %add3A_999, %add3A_1004 : vector<500x8x16xf32>
    %max3A_1006 = arith.constant 0.000000e+00 : f32
    %max3A_1007 = vector.broadcast %max3A_1006 : f32 to vector<500x8x16xf32>
    %max3A_1008 = arith.maximumf %add3A_1005, %max3A_1007 : vector<500x8x16xf32>
    %get3A_1009 = arith.constant 0 : index
    %get3A_1010 = arith.constant 0 : index
    %get3A_1011 = vector.load %arg15[%get3A_1009, %get3A_1010] : memref<8x16xf32, #tpu.memory_space<vmem>>, vector<8x16xf32>
    %broadcast_in_dim3A_1012 = vector.shape_cast %get3A_1011 : vector<8x16xf32> to vector<1x8x16xf32>
    %mul3A_1013 = vector.broadcast %broadcast_in_dim3A_1012 : vector<1x8x16xf32> to vector<500x8x16xf32>
    %mul3A_1014 = arith.mulf %max3A_1008, %mul3A_1013 : vector<500x8x16xf32>
    %reduce_sum3A_1015 = arith.constant dense<0.000000e+00> : vector<500x8xf32>
    %reduce_sum3A_1016 = vector.multi_reduction <add>, %mul3A_1014, %reduce_sum3A_1015 [2] : vector<500x8x16xf32> to vector<500x8xf32>
    %get3A_1017 = arith.constant 0 : index
    %get3A_1018 = arith.constant 0 : index
    %get3A_1019 = vector.load %arg16[%get3A_1017, %get3A_1018] : memref<1x8xf32, #tpu.memory_space<vmem>>, vector<1x8xf32>
    %add3A_1020 = vector.broadcast %get3A_1019 : vector<1x8xf32> to vector<500x8xf32>
    %add3A_1021 = arith.addf %reduce_sum3A_1016, %add3A_1020 : vector<500x8xf32>
    %get3A_1022 = arith.constant 0 : index
    %get3A_1023 = arith.constant 0 : index
    %get3A_1024 = vector.load %arg17[%get3A_1022, %get3A_1023] : memref<1x8xf32, #tpu.memory_space<vmem>>, vector<1x8xf32>
    %mul3A_1025 = vector.broadcast %get3A_1024 : vector<1x8xf32> to vector<500x8xf32>
    %mul3A_1026 = arith.mulf %add3A_1021, %mul3A_1025 : vector<500x8xf32>
    %reduce_sum3A_1027 = arith.constant dense<0.000000e+00> : vector<500xf32>
    %reduce_sum3A_1028 = vector.multi_reduction <add>, %mul3A_1026, %reduce_sum3A_1027 [1] : vector<500x8xf32> to vector<500xf32>
    %broadcast_in_dim3A_1029 = vector.shape_cast %reduce_sum3A_1028 : vector<500xf32> to vector<500x1xf32>
    %get3A_1030 = arith.constant 0 : index
    %get3A_1031 = arith.constant 0 : index
    %get3A_1032 = arith.constant 0 : index
    %get3A_1033 = vector.load %arg9[%get3A_1030, %get3A_1031, %get3A_1032] : memref<1x1x8xf32, #tpu.memory_space<vmem>>, vector<1x1x8xf32>
    %get3A_1034 = vector.shape_cast %get3A_1033 : vector<1x1x8xf32> to vector<1x8xf32>
    %slice3A_1035 = vector.extract_strided_slice %get3A_1034 {offsets = [0, 6], sizes = [1, 1], strides = [1, 1]} : vector<1x8xf32> to vector<1x1xf32>
    %div3A_1036 = vector.broadcast %slice3A_1035 : vector<1x1xf32> to vector<500x1xf32>
    %div3A_1037 = arith.divf %broadcast_in_dim3A_1029, %div3A_1036 : vector<500x1xf32>
    %mul3A_1038 = arith.constant 500 : i32
    %mul3A_1039 = vector.broadcast %mul3A_1038 : i32 to vector<500x1xi32>
    %mul3A_1040 = arith.muli %slice3A_924, %mul3A_1039 : vector<500x1xi32>
    %add3A_1041 = arith.addi %mul3A_1040, %slice3A_930 : vector<500x1xi32>
    %mul3A_1042 = arith.constant 500 : i32
    %mul3A_1043 = vector.broadcast %mul3A_1042 : i32 to vector<1x500xi32>
    %mul3A_1044 = arith.muli %slice3A_936, %mul3A_1043 : vector<1x500xi32>
    %add3A_1045 = arith.addi %mul3A_1044, %slice3A_942 : vector<1x500xi32>
    %eq3A_1046 = vector.broadcast %add3A_1041 : vector<500x1xi32> to vector<500x500xi32>
    %eq3A_1047 = vector.broadcast %add3A_1045 : vector<1x500xi32> to vector<500x500xi32>
    %eq3A_1048 = arith.cmpi eq, %eq3A_1046, %eq3A_1047 : vector<500x500xi32>
    %gt3A_1049 = arith.cmpi sgt, %iota3A, %iota3A_18 : vector<500x500xi32>
    %and3A_1050 = arith.andi %eq3A_1048, %gt3A_1049 : vector<500x500xi1>
    %convert_element_type3A_1051 = arith.extui %and3A_1050 : vector<500x500xi1> to vector<500x500xi32>
    %convert_element_type3A_1052 = arith.sitofp %convert_element_type3A_1051 : vector<500x500xi32> to vector<500x500xf32>
    %reduce_sum3A_1053 = arith.constant dense<0.000000e+00> : vector<500xf32>
    %reduce_sum3A_1054 = vector.multi_reduction <add>, %convert_element_type3A_1052, %reduce_sum3A_1053 [1] : vector<500x500xf32> to vector<500xf32>
    %broadcast_in_dim3A_1055 = vector.shape_cast %reduce_sum3A_1054 : vector<500xf32> to vector<500x1xf32>
    %gt3A_1056 = arith.constant 0.000000e+00 : f32
    %gt3A_1057 = vector.broadcast %gt3A_1056 : f32 to vector<500x1xf32>
    %gt3A_1058 = arith.cmpf ogt, %broadcast_in_dim3A_1055, %gt3A_1057 : vector<500x1xf32>
    %jit3A_1059 = arith.constant 0.000000e+00 : f32
    %broadcast_in_dim3A_1060 = vector.broadcast %jit3A_1059 : f32 to vector<500x1xf32>
    %select_n3A_1061 = arith.select %gt3A_1058, %broadcast_in_dim3A_1060, %div3A_1037 : vector<500x1xi1>, vector<500x1xf32>
    %eq3A_1062 = vector.broadcast %slice3A_936 : vector<1x500xi32> to vector<500x500xi32>
    %eq3A_1063 = arith.cmpi eq, %iota3A_18, %eq3A_1062 : vector<500x500xi32>
    %convert_element_type3A_1064 = arith.extui %eq3A_1063 : vector<500x500xi1> to vector<500x500xi32>
    %convert_element_type3A_1065 = arith.sitofp %convert_element_type3A_1064 : vector<500x500xi32> to vector<500x500xf32>
    %mul3A_1066 = vector.broadcast %select_n3A_1061 : vector<500x1xf32> to vector<500x500xf32>
    %mul3A_1067 = arith.mulf %mul3A_1066, %convert_element_type3A_950 : vector<500x500xf32>
    %dot_general3A_1068 = arith.constant dense<0.000000e+00> : vector<500x500xf32>
    %dot_general3A_1069 = tpu.matmul %convert_element_type3A_1065, %mul3A_1067, %dot_general3A_1068 {dimension_numbers = #tpu.dot_dimension_numbers<[1], [0], [0], [1], [0, 0, 1, 1], [], []>, transpose_lhs_hint = false} : vector<500x500xf32>, vector<500x500xf32>, vector<500x500xf32> -> vector<500x500xf32>
    %add3A_1070 = arith.addf %add3A_918, %dot_general3A_1069 : vector<500x500xf32>
    %get3A_1071 = arith.constant 0 : index
    %get3A_1072 = arith.constant 0 : index
    %get3A_1073 = arith.constant 0 : index
    %get3A_1074 = vector.load %arg7[%get3A_1071, %get3A_1072, %get3A_1073] : memref<1x500x8xi32, #tpu.memory_space<vmem>>, vector<1x500x8xi32>
    %get3A_1075 = vector.shape_cast %get3A_1074 : vector<1x500x8xi32> to vector<500x8xi32>
    %slice3A_1076 = vector.extract_strided_slice %get3A_1075 {offsets = [0, 7], sizes = [500, 1], strides = [1, 1]} : vector<500x8xi32> to vector<500x1xi32>
    %get3A_1077 = arith.constant 0 : index
    %get3A_1078 = arith.constant 0 : index
    %get3A_1079 = arith.constant 0 : index
    %get3A_1080 = vector.load %arg8[%get3A_1077, %get3A_1078, %get3A_1079] : memref<1x500x8xi32, #tpu.memory_space<vmem>>, vector<1x500x8xi32>
    %get3A_1081 = vector.shape_cast %get3A_1080 : vector<1x500x8xi32> to vector<500x8xi32>
    %slice3A_1082 = vector.extract_strided_slice %get3A_1081 {offsets = [0, 7], sizes = [500, 1], strides = [1, 1]} : vector<500x8xi32> to vector<500x1xi32>
    %get3A_1083 = arith.constant 0 : index
    %get3A_1084 = arith.constant 0 : index
    %get3A_1085 = arith.constant 0 : index
    %get3A_1086 = vector.load %arg5[%get3A_1083, %get3A_1084, %get3A_1085] : memref<1x8x500xi32, #tpu.memory_space<vmem>>, vector<1x8x500xi32>
    %get3A_1087 = vector.shape_cast %get3A_1086 : vector<1x8x500xi32> to vector<8x500xi32>
    %slice3A_1088 = vector.extract_strided_slice %get3A_1087 {offsets = [7, 0], sizes = [1, 500], strides = [1, 1]} : vector<8x500xi32> to vector<1x500xi32>
    %get3A_1089 = arith.constant 0 : index
    %get3A_1090 = arith.constant 0 : index
    %get3A_1091 = arith.constant 0 : index
    %get3A_1092 = vector.load %arg6[%get3A_1089, %get3A_1090, %get3A_1091] : memref<1x8x500xi32, #tpu.memory_space<vmem>>, vector<1x8x500xi32>
    %get3A_1093 = vector.shape_cast %get3A_1092 : vector<1x8x500xi32> to vector<8x500xi32>
    %slice3A_1094 = vector.extract_strided_slice %get3A_1093 {offsets = [7, 0], sizes = [1, 500], strides = [1, 1]} : vector<8x500xi32> to vector<1x500xi32>
    %eq3A_1095 = vector.broadcast %slice3A_1076 : vector<500x1xi32> to vector<500x500xi32>
    %eq3A_1096 = arith.cmpi eq, %iota3A, %eq3A_1095 : vector<500x500xi32>
    %convert_element_type3A_1097 = arith.extui %eq3A_1096 : vector<500x500xi1> to vector<500x500xi32>
    %convert_element_type3A_1098 = arith.sitofp %convert_element_type3A_1097 : vector<500x500xi32> to vector<500x500xf32>
    %eq3A_1099 = vector.broadcast %slice3A_1082 : vector<500x1xi32> to vector<500x500xi32>
    %eq3A_1100 = arith.cmpi eq, %iota3A, %eq3A_1099 : vector<500x500xi32>
    %convert_element_type3A_1101 = arith.extui %eq3A_1100 : vector<500x500xi1> to vector<500x500xi32>
    %convert_element_type3A_1102 = arith.sitofp %convert_element_type3A_1101 : vector<500x500xi32> to vector<500x500xf32>
    %dot_general3A_1103 = arith.constant dense<0.000000e+00> : vector<500x128xf32>
    %dot_general3A_1104 = tpu.matmul %convert_element_type3A_1098, %dot_general3A_12, %dot_general3A_1103 {dimension_numbers = #tpu.dot_dimension_numbers<[1], [0], [0], [1], [0, 0, 1, 1], [], []>, transpose_lhs_hint = false} : vector<500x500xf32>, vector<500x128xf32>, vector<500x128xf32> -> vector<500x128xf32>
    %dot_general3A_1105 = arith.constant dense<0.000000e+00> : vector<500x128xf32>
    %dot_general3A_1106 = tpu.matmul %convert_element_type3A_1102, %dot_general3A_17, %dot_general3A_1105 {dimension_numbers = #tpu.dot_dimension_numbers<[1], [0], [0], [1], [0, 0, 1, 1], [], []>, transpose_lhs_hint = false} : vector<500x500xf32>, vector<500x128xf32>, vector<500x128xf32> -> vector<500x128xf32>
    %mul3A_1107 = arith.mulf %dot_general3A_1104, %dot_general3A_1106 : vector<500x128xf32>
    %reshape3A_1108 = vector.shape_cast %mul3A_1107 : vector<500x128xf32> to vector<500x8x16xf32>
    %reduce_sum3A_1109 = arith.constant dense<0.000000e+00> : vector<500x8xf32>
    %reduce_sum3A_1110 = vector.multi_reduction <add>, %reshape3A_1108, %reduce_sum3A_1109 [2] : vector<500x8x16xf32> to vector<500x8xf32>
    %mul3A_1111 = arith.constant 6.250000e-02 : f32
    %mul3A_1112 = vector.broadcast %mul3A_1111 : f32 to vector<500x8xf32>
    %mul3A_1113 = arith.mulf %reduce_sum3A_1110, %mul3A_1112 : vector<500x8xf32>
    %get3A_1114 = arith.constant 0 : index
    %get3A_1115 = arith.constant 0 : index
    %get3A_1116 = arith.constant 0 : index
    %get3A_1117 = vector.load %arg2[%get3A_1114, %get3A_1115, %get3A_1116] : memref<1x4096x128xf32, #tpu.memory_space<vmem>>, vector<1x4096x128xf32>
    %get3A_1118 = vector.shape_cast %get3A_1117 : vector<1x4096x128xf32> to vector<4096x128xf32>
    %slice3A_1119 = vector.extract_strided_slice %get3A_1118 {offsets = [3500, 0], sizes = [500, 128], strides = [1, 1]} : vector<4096x128xf32> to vector<500x128xf32>
    %get3A_1120 = arith.constant 0 : index
    %get3A_1121 = arith.constant 0 : index
    %get3A_1122 = arith.constant 0 : index
    %get3A_1123 = vector.load %arg3[%get3A_1120, %get3A_1121, %get3A_1122] : memref<1x500x8xi32, #tpu.memory_space<vmem>>, vector<1x500x8xi32>
    %get3A_1124 = vector.shape_cast %get3A_1123 : vector<1x500x8xi32> to vector<500x8xi32>
    %slice3A_1125 = vector.extract_strided_slice %get3A_1124 {offsets = [0, 7], sizes = [500, 1], strides = [1, 1]} : vector<500x8xi32> to vector<500x1xi32>
    %iota3A_1126 = tpu.iota {dimensions = array<i32: 1>} : vector<500x128xi32>
    %eq3A_1127 = vector.broadcast %slice3A_1125 : vector<500x1xi32> to vector<500x128xi32>
    %eq3A_1128 = arith.cmpi eq, %eq3A_1127, %iota3A_1126 : vector<500x128xi32>
    %convert_element_type3A_1129 = arith.extui %eq3A_1128 : vector<500x128xi1> to vector<500x128xi32>
    %convert_element_type3A_1130 = arith.sitofp %convert_element_type3A_1129 : vector<500x128xi32> to vector<500x128xf32>
    %mul3A_1131 = arith.mulf %slice3A_1119, %convert_element_type3A_1130 : vector<500x128xf32>
    %reduce_sum3A_1132 = arith.constant dense<0.000000e+00> : vector<500xf32>
    %reduce_sum3A_1133 = vector.multi_reduction <add>, %mul3A_1131, %reduce_sum3A_1132 [1] : vector<500x128xf32> to vector<500xf32>
    %broadcast_in_dim3A_1134 = vector.shape_cast %reduce_sum3A_1133 : vector<500xf32> to vector<500x1xf32>
    %broadcast_in_dim3A_1135 = vector.shape_cast %mul3A_1113 : vector<500x8xf32> to vector<500x8x1xf32>
    %get3A_1136 = arith.constant 0 : index
    %get3A_1137 = arith.constant 0 : index
    %get3A_1138 = vector.load %arg12[%get3A_1136, %get3A_1137] : memref<8x16xf32, #tpu.memory_space<vmem>>, vector<8x16xf32>
    %broadcast_in_dim3A_1139 = vector.shape_cast %get3A_1138 : vector<8x16xf32> to vector<1x8x16xf32>
    %mul3A_1140 = vector.broadcast %broadcast_in_dim3A_1135 : vector<500x8x1xf32> to vector<500x8x16xf32>
    %mul3A_1141 = vector.broadcast %broadcast_in_dim3A_1139 : vector<1x8x16xf32> to vector<500x8x16xf32>
    %mul3A_1142 = arith.mulf %mul3A_1140, %mul3A_1141 : vector<500x8x16xf32>
    %broadcast_in_dim3A_1143 = vector.shape_cast %broadcast_in_dim3A_1134 : vector<500x1xf32> to vector<500x1x1xf32>
    %get3A_1144 = arith.constant 0 : index
    %get3A_1145 = arith.constant 0 : index
    %get3A_1146 = vector.load %arg13[%get3A_1144, %get3A_1145] : memref<8x16xf32, #tpu.memory_space<vmem>>, vector<8x16xf32>
    %broadcast_in_dim3A_1147 = vector.shape_cast %get3A_1146 : vector<8x16xf32> to vector<1x8x16xf32>
    %mul3A_1148 = vector.broadcast %broadcast_in_dim3A_1143 : vector<500x1x1xf32> to vector<500x8x16xf32>
    %mul3A_1149 = vector.broadcast %broadcast_in_dim3A_1147 : vector<1x8x16xf32> to vector<500x8x16xf32>
    %mul3A_1150 = arith.mulf %mul3A_1148, %mul3A_1149 : vector<500x8x16xf32>
    %add3A_1151 = arith.addf %mul3A_1142, %mul3A_1150 : vector<500x8x16xf32>
    %get3A_1152 = arith.constant 0 : index
    %get3A_1153 = arith.constant 0 : index
    %get3A_1154 = vector.load %arg14[%get3A_1152, %get3A_1153] : memref<8x16xf32, #tpu.memory_space<vmem>>, vector<8x16xf32>
    %broadcast_in_dim3A_1155 = vector.shape_cast %get3A_1154 : vector<8x16xf32> to vector<1x8x16xf32>
    %add3A_1156 = vector.broadcast %broadcast_in_dim3A_1155 : vector<1x8x16xf32> to vector<500x8x16xf32>
    %add3A_1157 = arith.addf %add3A_1151, %add3A_1156 : vector<500x8x16xf32>
    %max3A_1158 = arith.constant 0.000000e+00 : f32
    %max3A_1159 = vector.broadcast %max3A_1158 : f32 to vector<500x8x16xf32>
    %max3A_1160 = arith.maximumf %add3A_1157, %max3A_1159 : vector<500x8x16xf32>
    %get3A_1161 = arith.constant 0 : index
    %get3A_1162 = arith.constant 0 : index
    %get3A_1163 = vector.load %arg15[%get3A_1161, %get3A_1162] : memref<8x16xf32, #tpu.memory_space<vmem>>, vector<8x16xf32>
    %broadcast_in_dim3A_1164 = vector.shape_cast %get3A_1163 : vector<8x16xf32> to vector<1x8x16xf32>
    %mul3A_1165 = vector.broadcast %broadcast_in_dim3A_1164 : vector<1x8x16xf32> to vector<500x8x16xf32>
    %mul3A_1166 = arith.mulf %max3A_1160, %mul3A_1165 : vector<500x8x16xf32>
    %reduce_sum3A_1167 = arith.constant dense<0.000000e+00> : vector<500x8xf32>
    %reduce_sum3A_1168 = vector.multi_reduction <add>, %mul3A_1166, %reduce_sum3A_1167 [2] : vector<500x8x16xf32> to vector<500x8xf32>
    %get3A_1169 = arith.constant 0 : index
    %get3A_1170 = arith.constant 0 : index
    %get3A_1171 = vector.load %arg16[%get3A_1169, %get3A_1170] : memref<1x8xf32, #tpu.memory_space<vmem>>, vector<1x8xf32>
    %add3A_1172 = vector.broadcast %get3A_1171 : vector<1x8xf32> to vector<500x8xf32>
    %add3A_1173 = arith.addf %reduce_sum3A_1168, %add3A_1172 : vector<500x8xf32>
    %get3A_1174 = arith.constant 0 : index
    %get3A_1175 = arith.constant 0 : index
    %get3A_1176 = vector.load %arg17[%get3A_1174, %get3A_1175] : memref<1x8xf32, #tpu.memory_space<vmem>>, vector<1x8xf32>
    %mul3A_1177 = vector.broadcast %get3A_1176 : vector<1x8xf32> to vector<500x8xf32>
    %mul3A_1178 = arith.mulf %add3A_1173, %mul3A_1177 : vector<500x8xf32>
    %reduce_sum3A_1179 = arith.constant dense<0.000000e+00> : vector<500xf32>
    %reduce_sum3A_1180 = vector.multi_reduction <add>, %mul3A_1178, %reduce_sum3A_1179 [1] : vector<500x8xf32> to vector<500xf32>
    %broadcast_in_dim3A_1181 = vector.shape_cast %reduce_sum3A_1180 : vector<500xf32> to vector<500x1xf32>
    %get3A_1182 = arith.constant 0 : index
    %get3A_1183 = arith.constant 0 : index
    %get3A_1184 = arith.constant 0 : index
    %get3A_1185 = vector.load %arg9[%get3A_1182, %get3A_1183, %get3A_1184] : memref<1x1x8xf32, #tpu.memory_space<vmem>>, vector<1x1x8xf32>
    %get3A_1186 = vector.shape_cast %get3A_1185 : vector<1x1x8xf32> to vector<1x8xf32>
    %slice3A_1187 = vector.extract_strided_slice %get3A_1186 {offsets = [0, 7], sizes = [1, 1], strides = [1, 1]} : vector<1x8xf32> to vector<1x1xf32>
    %div3A_1188 = vector.broadcast %slice3A_1187 : vector<1x1xf32> to vector<500x1xf32>
    %div3A_1189 = arith.divf %broadcast_in_dim3A_1181, %div3A_1188 : vector<500x1xf32>
    %mul3A_1190 = arith.constant 500 : i32
    %mul3A_1191 = vector.broadcast %mul3A_1190 : i32 to vector<500x1xi32>
    %mul3A_1192 = arith.muli %slice3A_1076, %mul3A_1191 : vector<500x1xi32>
    %add3A_1193 = arith.addi %mul3A_1192, %slice3A_1082 : vector<500x1xi32>
    %mul3A_1194 = arith.constant 500 : i32
    %mul3A_1195 = vector.broadcast %mul3A_1194 : i32 to vector<1x500xi32>
    %mul3A_1196 = arith.muli %slice3A_1088, %mul3A_1195 : vector<1x500xi32>
    %add3A_1197 = arith.addi %mul3A_1196, %slice3A_1094 : vector<1x500xi32>
    %eq3A_1198 = vector.broadcast %add3A_1193 : vector<500x1xi32> to vector<500x500xi32>
    %eq3A_1199 = vector.broadcast %add3A_1197 : vector<1x500xi32> to vector<500x500xi32>
    %eq3A_1200 = arith.cmpi eq, %eq3A_1198, %eq3A_1199 : vector<500x500xi32>
    %gt3A_1201 = arith.cmpi sgt, %iota3A, %iota3A_18 : vector<500x500xi32>
    %and3A_1202 = arith.andi %eq3A_1200, %gt3A_1201 : vector<500x500xi1>
    %convert_element_type3A_1203 = arith.extui %and3A_1202 : vector<500x500xi1> to vector<500x500xi32>
    %convert_element_type3A_1204 = arith.sitofp %convert_element_type3A_1203 : vector<500x500xi32> to vector<500x500xf32>
    %reduce_sum3A_1205 = arith.constant dense<0.000000e+00> : vector<500xf32>
    %reduce_sum3A_1206 = vector.multi_reduction <add>, %convert_element_type3A_1204, %reduce_sum3A_1205 [1] : vector<500x500xf32> to vector<500xf32>
    %broadcast_in_dim3A_1207 = vector.shape_cast %reduce_sum3A_1206 : vector<500xf32> to vector<500x1xf32>
    %gt3A_1208 = arith.constant 0.000000e+00 : f32
    %gt3A_1209 = vector.broadcast %gt3A_1208 : f32 to vector<500x1xf32>
    %gt3A_1210 = arith.cmpf ogt, %broadcast_in_dim3A_1207, %gt3A_1209 : vector<500x1xf32>
    %jit3A_1211 = arith.constant 0.000000e+00 : f32
    %broadcast_in_dim3A_1212 = vector.broadcast %jit3A_1211 : f32 to vector<500x1xf32>
    %select_n3A_1213 = arith.select %gt3A_1210, %broadcast_in_dim3A_1212, %div3A_1189 : vector<500x1xi1>, vector<500x1xf32>
    %eq3A_1214 = vector.broadcast %slice3A_1088 : vector<1x500xi32> to vector<500x500xi32>
    %eq3A_1215 = arith.cmpi eq, %iota3A_18, %eq3A_1214 : vector<500x500xi32>
    %convert_element_type3A_1216 = arith.extui %eq3A_1215 : vector<500x500xi1> to vector<500x500xi32>
    %convert_element_type3A_1217 = arith.sitofp %convert_element_type3A_1216 : vector<500x500xi32> to vector<500x500xf32>
    %mul3A_1218 = vector.broadcast %select_n3A_1213 : vector<500x1xf32> to vector<500x500xf32>
    %mul3A_1219 = arith.mulf %mul3A_1218, %convert_element_type3A_1102 : vector<500x500xf32>
    %dot_general3A_1220 = arith.constant dense<0.000000e+00> : vector<500x500xf32>
    %dot_general3A_1221 = tpu.matmul %convert_element_type3A_1217, %mul3A_1219, %dot_general3A_1220 {dimension_numbers = #tpu.dot_dimension_numbers<[1], [0], [0], [1], [0, 0, 1, 1], [], []>, transpose_lhs_hint = false} : vector<500x500xf32>, vector<500x500xf32>, vector<500x500xf32> -> vector<500x500xf32>
    %add3A_1222 = arith.addf %add3A_1070, %dot_general3A_1221 : vector<500x500xf32>
    %ne3A = arith.constant 0.000000e+00 : f32
    %ne3A_1223 = vector.broadcast %ne3A : f32 to vector<500x500xf32>
    %ne3A_1224 = arith.cmpf one, %add3A_1222, %ne3A_1223 : vector<500x500xf32>
    %jit3A_1225 = arith.constant -9.000000e+15 : f32
    %broadcast_in_dim3A_1226 = vector.broadcast %jit3A_1225 : f32 to vector<500x500xf32>
    %select_n3A_1227 = arith.select %ne3A_1224, %add3A_1222, %broadcast_in_dim3A_1226 : vector<500x500xi1>, vector<500x500xf32>
    %eq3A_1228 = arith.cmpi eq, %iota3A_18, %iota3A : vector<500x500xi32>
    %jit3A_1229 = arith.constant -9.000000e+15 : f32
    %broadcast_in_dim3A_1230 = vector.broadcast %jit3A_1229 : f32 to vector<500x500xf32>
    %select_n3A_1231 = arith.select %eq3A_1228, %broadcast_in_dim3A_1230, %select_n3A_1227 : vector<500x500xi1>, vector<500x500xf32>
    %reduce_max3A = arith.constant dense<0xFF800000> : vector<500xf32>
    %reduce_max3A_1232 = vector.multi_reduction <maximumf>, %select_n3A_1231, %reduce_max3A [1] : vector<500x500xf32> to vector<500xf32>
    %broadcast_in_dim3A_1233 = vector.shape_cast %reduce_max3A_1232 : vector<500xf32> to vector<500x1xf32>
    %sub3A = vector.broadcast %broadcast_in_dim3A_1233 : vector<500x1xf32> to vector<500x500xf32>
    %sub3A_1234 = arith.subf %select_n3A_1231, %sub3A : vector<500x500xf32>
    %exp3A = math.exp %sub3A_1234 : vector<500x500xf32>
    %reduce_sum3A_1235 = arith.constant dense<0.000000e+00> : vector<500xf32>
    %reduce_sum3A_1236 = vector.multi_reduction <add>, %exp3A, %reduce_sum3A_1235 [1] : vector<500x500xf32> to vector<500xf32>
    %broadcast_in_dim3A_1237 = vector.shape_cast %reduce_sum3A_1236 : vector<500xf32> to vector<500x1xf32>
    %div3A_1238 = vector.broadcast %broadcast_in_dim3A_1237 : vector<500x1xf32> to vector<500x500xf32>
    %div3A_1239 = arith.divf %exp3A, %div3A_1238 : vector<500x500xf32>
    %dot_general3A_1240 = arith.constant dense<0.000000e+00> : vector<500x128xf32>
    %dot_general3A_1241 = tpu.matmul %div3A_1239, %get3A_3, %dot_general3A_1240 {dimension_numbers = #tpu.dot_dimension_numbers<[1], [0], [0], [1], [0, 0, 1, 1], [], []>, transpose_lhs_hint = false} : vector<500x500xf32>, vector<500x128xf32>, vector<500x128xf32> -> vector<500x128xf32>
    %get3A_1242 = arith.constant 0 : index
    %get3A_1243 = arith.constant 0 : index
    %get3A_1244 = vector.load %arg18[%get3A_1242, %get3A_1243] : memref<128x384xf32, #tpu.memory_space<vmem>>, vector<128x384xf32>
    %dot_general3A_1245 = arith.constant dense<0.000000e+00> : vector<500x384xf32>
    %dot_general3A_1246 = tpu.matmul %dot_general3A_1241, %get3A_1244, %dot_general3A_1245 {dimension_numbers = #tpu.dot_dimension_numbers<[1], [0], [0], [1], [0, 0, 1, 1], [], []>, transpose_lhs_hint = false} : vector<500x128xf32>, vector<128x384xf32>, vector<500x384xf32> -> vector<500x384xf32>
    %get3A_1247 = arith.constant 0 : index
    %get3A_1248 = arith.constant 0 : index
    %get3A_1249 = vector.load %arg20[%get3A_1247, %get3A_1248] : memref<1x384xf32, #tpu.memory_space<vmem>>, vector<1x384xf32>
    %add3A_1250 = vector.broadcast %get3A_1249 : vector<1x384xf32> to vector<500x384xf32>
    %add3A_1251 = arith.addf %dot_general3A_1246, %add3A_1250 : vector<500x384xf32>
    %get3A_1252 = arith.constant 0 : index
    %get3A_1253 = arith.constant 0 : index
    %get3A_1254 = vector.load %arg19[%get3A_1252, %get3A_1253] : memref<128x384xf32, #tpu.memory_space<vmem>>, vector<128x384xf32>
    %dot_general3A_1255 = arith.constant dense<0.000000e+00> : vector<500x384xf32>
    %dot_general3A_1256 = tpu.matmul %get3A_8, %get3A_1254, %dot_general3A_1255 {dimension_numbers = #tpu.dot_dimension_numbers<[1], [0], [0], [1], [0, 0, 1, 1], [], []>, transpose_lhs_hint = false} : vector<500x128xf32>, vector<128x384xf32>, vector<500x384xf32> -> vector<500x384xf32>
    %get3A_1257 = arith.constant 0 : index
    %get3A_1258 = arith.constant 0 : index
    %get3A_1259 = vector.load %arg21[%get3A_1257, %get3A_1258] : memref<1x384xf32, #tpu.memory_space<vmem>>, vector<1x384xf32>
    %add3A_1260 = vector.broadcast %get3A_1259 : vector<1x384xf32> to vector<500x384xf32>
    %add3A_1261 = arith.addf %dot_general3A_1256, %add3A_1260 : vector<500x384xf32>
    %slice3A_1262 = vector.extract_strided_slice %add3A_1251 {offsets = [0, 0], sizes = [500, 128], strides = [1, 1]} : vector<500x384xf32> to vector<500x128xf32>
    %slice3A_1263 = vector.extract_strided_slice %add3A_1261 {offsets = [0, 0], sizes = [500, 128], strides = [1, 1]} : vector<500x384xf32> to vector<500x128xf32>
    %add3A_1264 = arith.addf %slice3A_1262, %slice3A_1263 : vector<500x128xf32>
    %logistic3A = arith.negf %add3A_1264 : vector<500x128xf32>
    %logistic3A_1265 = math.exp %logistic3A : vector<500x128xf32>
    %logistic3A_1266 = arith.constant 1.000000e+00 : f32
    %logistic3A_1267 = vector.broadcast %logistic3A_1266 : f32 to vector<500x128xf32>
    %logistic3A_1268 = arith.addf %logistic3A_1267, %logistic3A_1265 : vector<500x128xf32>
    %logistic3A_1269 = arith.divf %logistic3A_1267, %logistic3A_1268 : vector<500x128xf32>
    %slice3A_1270 = vector.extract_strided_slice %add3A_1251 {offsets = [0, 128], sizes = [500, 128], strides = [1, 1]} : vector<500x384xf32> to vector<500x128xf32>
    %slice3A_1271 = vector.extract_strided_slice %add3A_1261 {offsets = [0, 128], sizes = [500, 128], strides = [1, 1]} : vector<500x384xf32> to vector<500x128xf32>
    %add3A_1272 = arith.addf %slice3A_1270, %slice3A_1271 : vector<500x128xf32>
    %logistic3A_1273 = arith.negf %add3A_1272 : vector<500x128xf32>
    %logistic3A_1274 = math.exp %logistic3A_1273 : vector<500x128xf32>
    %logistic3A_1275 = arith.constant 1.000000e+00 : f32
    %logistic3A_1276 = vector.broadcast %logistic3A_1275 : f32 to vector<500x128xf32>
    %logistic3A_1277 = arith.addf %logistic3A_1276, %logistic3A_1274 : vector<500x128xf32>
    %logistic3A_1278 = arith.divf %logistic3A_1276, %logistic3A_1277 : vector<500x128xf32>
    %slice3A_1279 = vector.extract_strided_slice %add3A_1251 {offsets = [0, 256], sizes = [500, 128], strides = [1, 1]} : vector<500x384xf32> to vector<500x128xf32>
    %slice3A_1280 = vector.extract_strided_slice %add3A_1261 {offsets = [0, 256], sizes = [500, 128], strides = [1, 1]} : vector<500x384xf32> to vector<500x128xf32>
    %mul3A_1281 = arith.mulf %logistic3A_1269, %slice3A_1280 : vector<500x128xf32>
    %add3A_1282 = arith.addf %slice3A_1279, %mul3A_1281 : vector<500x128xf32>
    %tanh3A = math.tanh %add3A_1282 : vector<500x128xf32>
    %sub3A_1283 = arith.constant 1.000000e+00 : f32
    %sub3A_1284 = vector.broadcast %sub3A_1283 : f32 to vector<500x128xf32>
    %sub3A_1285 = arith.subf %sub3A_1284, %logistic3A_1278 : vector<500x128xf32>
    %mul3A_1286 = arith.mulf %sub3A_1285, %tanh3A : vector<500x128xf32>
    %mul3A_1287 = arith.mulf %logistic3A_1278, %get3A_8 : vector<500x128xf32>
    %add3A_1288 = arith.addf %mul3A_1286, %mul3A_1287 : vector<500x128xf32>
    %swap3A = arith.constant 0 : index
    %swap3A_1289 = arith.constant 0 : index
    %swap3A_1290 = arith.constant 0 : index
    %swap3A_1291 = vector.load %arg23[%swap3A, %swap3A_1289, %swap3A_1290] : memref<1x500x128xf32, #tpu.memory_space<vmem>>, vector<1x500x128xf32>
    %swap3A_1292 = vector.shape_cast %swap3A_1291 : vector<1x500x128xf32> to vector<500x128xf32>
    %swap3A_1293 = vector.shape_cast %add3A_1288 : vector<500x128xf32> to vector<1x500x128xf32>
    tpu.vector_store %arg23[%swap3A, %swap3A_1289, %swap3A_1290], %swap3A_1293 {strides = array<i32>} : memref<1x500x128xf32, #tpu.memory_space<vmem>>, vector<1x500x128xf32>,
    %gt3A_1294 = arith.constant 0.000000e+00 : f32
    %gt3A_1295 = vector.broadcast %gt3A_1294 : f32 to vector<500x128xf32>
    %gt3A_1296 = arith.cmpf ogt, %add3A_1288, %gt3A_1295 : vector<500x128xf32>
    %exp3A_1297 = math.exp %add3A_1288 : vector<500x128xf32>
    %sub3A_1298 = arith.constant 1.000000e+00 : f32
    %sub3A_1299 = vector.broadcast %sub3A_1298 : f32 to vector<500x128xf32>
    %sub3A_1300 = arith.subf %exp3A_1297, %sub3A_1299 : vector<500x128xf32>
    %select_n3A_1301 = arith.select %gt3A_1296, %add3A_1288, %sub3A_1300 : vector<500x128xi1>, vector<500x128xf32>
    %swap3A_1302 = arith.constant 0 : index
    %swap3A_1303 = arith.constant 0 : index
    %swap3A_1304 = arith.constant 0 : index
    %swap3A_1305 = vector.load %arg22[%swap3A_1302, %swap3A_1303, %swap3A_1304] : memref<1x500x128xf32, #tpu.memory_space<vmem>>, vector<1x500x128xf32>
    %swap3A_1306 = vector.shape_cast %swap3A_1305 : vector<1x500x128xf32> to vector<500x128xf32>
    %swap3A_1307 = vector.shape_cast %select_n3A_1301 : vector<500x128xf32> to vector<1x500x128xf32>
    tpu.vector_store %arg22[%swap3A_1302, %swap3A_1303, %swap3A_1304], %swap3A_1307 {strides = array<i32>} : memref<1x500x128xf32, #tpu.memory_space<vmem>>, vector<1x500x128xf32>,
    return
  }
  func.func @transform_0(%arg0: i32) -> (i32, i32, i32) {
    %c0_i32 = arith.constant 0 : i32
    %c0_i32_0 = arith.constant 0 : i32
    %c0_i32_1 = arith.constant 0 : i32
    return %arg0, %c0_i32, %c0_i32_0 : i32, i32, i32
  }
  func.func @transform_1(%arg0: i32) -> (i32, i32, i32) {
    %c0_i32 = arith.constant 0 : i32
    %c0_i32_0 = arith.constant 0 : i32
    %c0_i32_1 = arith.constant 0 : i32
    return %arg0, %c0_i32, %c0_i32_0 : i32, i32, i32
  }
  func.func @transform_2(%arg0: i32) -> (i32, i32, i32) {
    %c0_i32 = arith.constant 0 : i32
    %c0_i32_0 = arith.constant 0 : i32
    %c0_i32_1 = arith.constant 0 : i32
    return %arg0, %c0_i32, %c0_i32_0 : i32, i32, i32
  }
  func.func @transform_3(%arg0: i32) -> (i32, i32, i32) {
    %c0_i32 = arith.constant 0 : i32
    %c0_i32_0 = arith.constant 0 : i32
    %c0_i32_1 = arith.constant 0 : i32
    return %arg0, %c0_i32, %c0_i32_0 : i32, i32, i32
  }
  func.func @transform_4(%arg0: i32) -> (i32, i32, i32) {
    %c0_i32 = arith.constant 0 : i32
    %c0_i32_0 = arith.constant 0 : i32
    %c0_i32_1 = arith.constant 0 : i32
    return %arg0, %c0_i32, %c0_i32_0 : i32, i32, i32
  }
  func.func @transform_5(%arg0: i32) -> (i32, i32, i32) {
    %c0_i32 = arith.constant 0 : i32
    %c0_i32_0 = arith.constant 0 : i32
    %c0_i32_1 = arith.constant 0 : i32
    return %arg0, %c0_i32, %c0_i32_0 : i32, i32, i32
  }
  func.func @transform_6(%arg0: i32) -> (i32, i32, i32) {
    %c0_i32 = arith.constant 0 : i32
    %c0_i32_0 = arith.constant 0 : i32
    %c0_i32_1 = arith.constant 0 : i32
    return %arg0, %c0_i32, %c0_i32_0 : i32, i32, i32
  }
  func.func @transform_7(%arg0: i32) -> (i32, i32, i32) {
    %c0_i32 = arith.constant 0 : i32
    %c0_i32_0 = arith.constant 0 : i32
    %c0_i32_1 = arith.constant 0 : i32
    return %arg0, %c0_i32, %c0_i32_0 : i32, i32, i32
  }
  func.func @transform_8(%arg0: i32) -> (i32, i32, i32) {
    %c0_i32 = arith.constant 0 : i32
    %c0_i32_0 = arith.constant 0 : i32
    %c0_i32_1 = arith.constant 0 : i32
    return %arg0, %c0_i32, %c0_i32_0 : i32, i32, i32
  }
  func.func @transform_9(%arg0: i32) -> (i32, i32) {
    %c0_i32 = arith.constant 0 : i32
    %c0_i32_0 = arith.constant 0 : i32
    %c0_i32_1 = arith.constant 0 : i32
    return %c0_i32, %c0_i32_0 : i32, i32
  }
  func.func @transform_10(%arg0: i32) -> (i32, i32) {
    %c0_i32 = arith.constant 0 : i32
    %c0_i32_0 = arith.constant 0 : i32
    %c0_i32_1 = arith.constant 0 : i32
    return %c0_i32, %c0_i32_0 : i32, i32
  }
  func.func @transform_11(%arg0: i32) -> (i32, i32) {
    %c0_i32 = arith.constant 0 : i32
    %c0_i32_0 = arith.constant 0 : i32
    %c0_i32_1 = arith.constant 0 : i32
    return %c0_i32, %c0_i32_0 : i32, i32
  }
  func.func @transform_12(%arg0: i32) -> (i32, i32) {
    %c0_i32 = arith.constant 0 : i32
    %c0_i32_0 = arith.constant 0 : i32
    %c0_i32_1 = arith.constant 0 : i32
    return %c0_i32, %c0_i32_0 : i32, i32
  }
  func.func @transform_13(%arg0: i32) -> (i32, i32) {
    %c0_i32 = arith.constant 0 : i32
    %c0_i32_0 = arith.constant 0 : i32
    %c0_i32_1 = arith.constant 0 : i32
    return %c0_i32, %c0_i32_0 : i32, i32
  }
  func.func @transform_14(%arg0: i32) -> (i32, i32) {
    %c0_i32 = arith.constant 0 : i32
    %c0_i32_0 = arith.constant 0 : i32
    %c0_i32_1 = arith.constant 0 : i32
    return %c0_i32, %c0_i32_0 : i32, i32
  }
  func.func @transform_15(%arg0: i32) -> (i32, i32) {
    %c0_i32 = arith.constant 0 : i32
    %c0_i32_0 = arith.constant 0 : i32
    %c0_i32_1 = arith.constant 0 : i32
    return %c0_i32, %c0_i32_0 : i32, i32
  }
  func.func @transform_16(%arg0: i32) -> (i32, i32) {
    %c0_i32 = arith.constant 0 : i32
    %c0_i32_0 = arith.constant 0 : i32
    %c0_i32_1 = arith.constant 0 : i32
    return %c0_i32, %c0_i32_0 : i32, i32
  }
  func.func @transform_17(%arg0: i32) -> (i32, i32) {
    %c0_i32 = arith.constant 0 : i32
    %c0_i32_0 = arith.constant 0 : i32
    %c0_i32_1 = arith.constant 0 : i32
    return %c0_i32, %c0_i32_0 : i32, i32
  }
  func.func @transform_18(%arg0: i32) -> (i32, i32) {
    %c0_i32 = arith.constant 0 : i32
    %c0_i32_0 = arith.constant 0 : i32
    %c0_i32_1 = arith.constant 0 : i32
    return %c0_i32, %c0_i32_0 : i32, i32
  }
  func.func @transform_19(%arg0: i32) -> (i32, i32) {
    %c0_i32 = arith.constant 0 : i32
    %c0_i32_0 = arith.constant 0 : i32
    %c0_i32_1 = arith.constant 0 : i32
    return %c0_i32, %c0_i32_0 : i32, i32
  }
  func.func @transform_20(%arg0: i32) -> (i32, i32) {
    %c0_i32 = arith.constant 0 : i32
    %c0_i32_0 = arith.constant 0 : i32
    %c0_i32_1 = arith.constant 0 : i32
    return %c0_i32, %c0_i32_0 : i32, i32
  }
  func.func @transform_21(%arg0: i32) -> (i32, i32, i32) {
    %c0_i32 = arith.constant 0 : i32
    %c0_i32_0 = arith.constant 0 : i32
    %c0_i32_1 = arith.constant 0 : i32
    return %arg0, %c0_i32, %c0_i32_0 : i32, i32, i32
  }
  func.func @transform_22(%arg0: i32) -> (i32, i32, i32) {
    %c0_i32 = arith.constant 0 : i32
    %c0_i32_0 = arith.constant 0 : i32
    %c0_i32_1 = arith.constant 0 : i32
    return %arg0, %c0_i32, %c0_i32_0 : i32, i32, i32
  }
}

</mosaic_0001>

<sc_bundles>
// kernel: kernel.5.cloned.1.call-start
scs
__scs_entry_jumppad:
0x0: {  	(pc) =	sbr.rel $0x88, $3  }
0x1: {  	(tag) =	ssettag $0x0;
	lr =	simm.s32 $0x1  }
0x2: {  	[smem:$0x3F91] =	sst lr;
	_ =	strace $0xD0000000  }
0x3: {  	_ = 	snop  }
0x4: {  	_ = 	snop  }
0x5: {  	_ = 	snop  }
0x6: {  	_ = 	snop  }
0x7: {  	_ = 	snop  }
__scs_overlays_trampoline_lowered:
0x8: {  	[smem:$0x3FA0] =	sst s0  }
0x9: {  	[smem:$0x3FA1] =	sst s1  }
0xa: {  	[smem:$0x3FA2] =	sst s2  }
0xb: {  	[smem:$0x3FA3] =	sst s3  }
0xc: {  	[smem:$0x3FA4] =	sst s4  }
0xd: {  	[smem:$0x3FA5] =	sst s5  }
0xe: {  	[smem:$0x3FA6] =	sst s6  }
0xf: {  	[smem:$0x3FA7] =	sst s7  }
0x10: {  	[smem:$0x3FA8] =	sst s8  }
0x11: {  	[smem:$0x3FA9] =	sst s9;
	s0 =	simm.s32 @!p0 $0x0  }
0x12: {  	s1 =	sld [smem:$0x3F8F];
	s0 =	simm.s32 @p0 $0x1  }
0x13: {  	[smem:$0x3FAA] =	sst s0;
	s0 =	simm.s32 @!p1 $0x0  }
0x14: {  	s2 =	sld [smem:$0x3F8E];
	s0 =	simm.s32 @p1 $0x1  }
0x15: {  	[smem:$0x3FAB] =	sst s0;
	s0 =	simm.s32 @!p2 $0x0  }
0x16: {  	s3 =	sld [smem:$0x3FDB];
	s0 =	simm.s32 @p2 $0x1  }
0x17: {  	s4 =	simm.s32 $0x1BF5;
	[smem:$0x3FAD] =	sst s0  }
0x18: {  	s0 =	sld [smem:$0x3F90];
	_ =	swait.ge [sflag:s4], $0x0  }
0x19: {  	s7 =	sld [smem:$0x3F91]  }
0x1a: {  	s8 =	sadd.s32 $0xFFFFE003, lr  }
0x1b: {  	s9 =	sadd.s32 $0xFFFFFEF7, lr;
	s5 =	simm.s32 $0xFFFFFFFF;
	p2 =	slt.u32 s8, $0xFFFFF086  }
0x1c: {  	p1 =	slt.u32 s9, $0xF7A;
	s5 =	simm.s32 @!p2 $0x0  }
0x1d: {  	s5 =	simm.s32 @p1 $0x1;
	p0 =	seq.s32 s7, s2  }
0x1e: {  	s7 =	smul.u32 @!p0 $0xF7A, s2;
	p2 =	seq.s32 @!p0 s5, $0x0  }
0x1f: {  	s9 =	smul.u32 $0xF7A, s1;
	s8 =	simm.s32 @!p0 $0x1BF5;
	p2 =	por !p2, p0  }
0x20: {  	[sflag:s8] =	ssyncset.s32 @!p0 $0xFFFFF086;
	s6 =	sadd.s32 @!p0 s3, s7;
	s7 =	simm.s32 @!p0 $0x108  }
0x21: {  	s3 =	sadd.s32 s3, s9;
	s6 =	sadd.s32 @!p0 $0x88, s6;
	s7 =	simm.s32 @p2 $0x1082  }
0x22: {  	[simem:s7], [sflag:s8] =	dma.local @!p0 [hbm:s6], $0xF7A  }
0x23: {  	s9 =	sor.u32 $0xD0000000, s2;
	s6 =	simm.s32 $0x108;
	_ =	swait.ge @!p0 [sflag:s8], $0x0  }
0x24: {  	s3 =	sadd.s32 $0x88, s3;
	s6 =	simm.s32 @!p1 $0x1082;
	[sflag:s4] =	ssyncset.s32 $0xFFFFF086  }
0x25: {  	[simem:s6], [sflag:s4] =	dma.local [hbm:s3], $0xF7A  }
0x26: {  	[smem:$0x3F91] =	sst s1;
	(tag) =	ssettag s2;
	_ =	strace s9  }
0x27: {  	s1 =	sld [smem:$0x3FA1]  }
0x28: {  	s2 =	sld [smem:$0x3FA2]  }
0x29: {  	s4 =	sld [smem:$0x3FA4]  }
0x2a: {  	p0 =	seq.s32 s5, $0x0;
	s5 =	sld [smem:$0x3FA5]  }
0x2b: {  	s6 =	sld [smem:$0x3FA6]  }
0x2c: {  	s7 =	sld [smem:$0x3FA7]  }
0x2d: {  	s3 =	simm.s32 $0x108;
	s8 =	sld [smem:$0x3FA8]  }
0x2e: {  	s3 =	simm.s32 @!p0 $0x1082;
	s9 =	sld [smem:$0x3FA9]  }
0x2f: {  	lr =	sadd.s32 s0, s3;
	s0 =	sld [smem:$0x3FA0]  }
0x30: {  	s3 =	sld [smem:$0x3FA3]  }
0x31: {  	[smem:$0x3FAC] =	sst s10  }
0x32: {  	s10 =	sld [smem:$0x3FAA];
	_ =	sdelay $0x3  }
0x33: {  	p0 =	seq.s32 s10, $0x1;
	s10 =	sld [smem:$0x3FAC];
	_ =	sdelay $0x3  }
0x34: {  	[smem:$0x3FAC] =	sst s10  }
0x35: {  	s10 =	sld [smem:$0x3FAB];
	_ =	sdelay $0x3  }
0x36: {  	p1 =	seq.s32 s10, $0x1;
	s10 =	sld [smem:$0x3FAC];
	_ =	sdelay $0x3  }
0x37: {  	[smem:$0x3FAC] =	sst s10  }
0x38: {  	s10 =	sld [smem:$0x3FAD]  }
0x39: {  	_ = 	snop;
	(pc) =	sbr.ind lr, $3  }
0x3a: {  	_ = 	snop  }
0x3b: {  	_ = 	snop  }
0x3c: {  	p2 =	seq.s32 s10, $0x1;
	s10 =	sld [smem:$0x3FAC]  }
0x3d: {  	_ =	shalt  }
0x3e: {  	_ =	shalt  }
0x3f: {  	_ =	shalt  }
0x40: {  	_ =	shalt  }
0x41: {  	_ =	shalt  }
0x42: {  	_ =	shalt  }
0x43: {  	_ =	shalt  }
0x44: {  	_ =	shalt  }
0x45: {  	_ =	shalt  }
0x46: {  	_ =	shalt  }
0x47: {  	_ =	shalt  }
0x48: {  	_ =	shalt  }
0x49: {  	_ =	shalt  }
0x4a: {  	_ =	shalt  }
0x4b: {  	_ =	shalt  }
0x4c: {  	_ =	shalt  }
0x4d: {  	_ =	shalt  }
0x4e: {  	_ =	shalt  }
0x4f: {  	_ =	shalt  }
0x50: {  	_ =	shalt  }
0x51: {  	_ =	shalt  }
0x52: {  	_ =	shalt  }
0x53: {  	_ =	shalt  }
0x54: {  	_ =	shalt  }
0x55: {  	_ =	shalt  }
0x56: {  	_ =	shalt  }
0x57: {  	_ =	shalt  }
0x58: {  	_ =	shalt  }
0x59: {  	_ =	shalt  }
0x5a: {  	_ =	shalt  }
0x5b: {  	_ =	shalt  }
0x5c: {  	_ =	shalt  }
0x5d: {  	_ =	shalt  }
0x5e: {  	_ =	shalt  }
0x5f: {  	_ =	shalt  }
0x60: {  	_ =	shalt  }
0x61: {  	_ =	shalt  }
0x62: {  	_ =	shalt  }
0x63: {  	_ =	shalt  }
0x64: {  	_ =	shalt  }
0x65: {  	_ =	shalt  }
0x66: {  	_ =	shalt  }
0x67: {  	_ =	shalt  }
0x68: {  	_ =	shalt  }
0x69: {  	_ =	shalt  }
0x6a: {  	_ =	shalt  }
0x6b: {  	_ =	shalt  }
0x6c: {  	_ =	shalt  }
0x6d: {  	_ =	shalt  }
0x6e: {  	_ =	shalt  }
0x6f: {  	_ =	shalt  }
0x70: {  	_ =	shalt  }
0x71: {  	_ =	shalt  }
0x72: {  	_ =	shalt  }
0x73: {  	_ =	shalt  }
0x74: {  	_ =	shalt  }
0x75: {  	_ =	shalt  }
0x76: {  	_ =	shalt  }
0x77: {  	_ =	shalt  }
0x78: {  	_ =	shalt  }
0x79: {  	_ =	shalt  }
0x7a: {  	_ =	shalt  }
0x7b: {  	_ =	shalt  }
0x7c: {  	_ =	shalt  }
0x7d: {  	_ =	shalt  }
0x7e: {  	_ =	shalt  }
0x7f: {  	_ =	shalt  }
0x80: {  	_ =	shalt  }
0x81: {  	_ =	shalt  }
0x82: {  	_ =	shalt  }
0x83: {  	_ =	shalt  }
0x84: {  	_ =	shalt  }
0x85: {  	_ =	shalt  }
0x86: {  	_ =	shalt  }
0x87: {  	_ =	shalt  }
.Lfunc_end0:
.L_simem_size_0:
called_computation_lowered:
.L_overlay_start_0:
0x88: {  	s2 =	sld [smem:$0x3FD9]  }
0x89: {  	s3 =	sld [smem:$0x3FFE];
	_ =	sdelay $0x1  }
0x8a: {  	s1 =	srdreg.scid  }
0x8b: {  	s0 =	sand.u32 $0x1, s1  }
0x8c: {  	s14 =	sshll.u32 s0, $0xA;
	s2 =	sadd.s32 s3, s2  }
0x8d: {  	s2 =	sadd.s32 s2, s14  }
0x8e: {  	[smem:$0x3FB8] =	sst s2  }
0x8f: {  	_ = 	snop  }
0x90: {  	s2 =	sld [smem:$0x3FD0];
	_ =	sdelay $0x2  }
0x91: {  	s15 =	simm.s32 $0xA;
	s4 =	simm.s32 $0x10  }
0x92: {  	[smem:s4], [sflag:s15] =	dma.local [hbm:s2], $0x1  }
0x93: {  	_ =	swait.eq [sflag:s15], $0x1  }
0x94: {  	[sflag:s15] =	ssyncset.done $0x0  }
0x95: {  	[sflag:s15] =	ssyncadd.s32 $0xFFFFFFFF  }
0x96: {  	s16 =	sld [smem:$0x11];
	(tm) =	ssettm $0x1  }
0x97: {  	s17 =	sld [smem:$0x3FFB];
	_ =	sdelay $0x3  }
0x98: {  	_ =	strace s17  }
0x99: {  	s3 =	sld [smem:$0x3FFC];
	_ =	sdelay $0x3  }
0x9a: {  	_ =	strace s3  }
0x9b: {  	s3 =	sld [smem:$0x3FFD];
	_ =	sdelay $0x3  }
0x9c: {  	_ =	strace s3  }
0x9d: {  	_ =	strace $0x8FFFFFFF  }
0x9e: {  	s18 =	sld [smem:$0x3FDB];
	_ =	sdelay $0x1  }
0x9f: {  	s19 =	simm.s32 $_scs_section_size  }
0xa0: {  	s5 =	simm.s32 $_size__tile_overlayer_lowered;
	s6 =	simm.s32 $_tile_overlayer_lowered  }
0xa1: {  	s22 =	simm.s32 $0x1BFF;
	s21 =	sshll.u32 s6, $0x1;
	s3 =	sadd.s32 s19, s18  }
0xa2: {  	s7 =	simm.s32 $0x0;
	s20 =	sshll.u32 s5, $0x1;
	s5 =	sadd.s32 s21, s3  }
0xa3: {  	[timem:s7], [sflag:s22] =	dma.local [hbm:s5], s20  }
0xa4: {  	_ =	swait.ge [sflag:s22], s20  }
0xa5: {  	s4 =	ssub.s32 $0x0, s20;
	[sflag:s22] =	ssyncset.done $0x0  }
0xa6: {  	[sflag:s22] =	ssyncadd.s32 s4;
	_ =	sdelay $0x1  }
0xa7: {  	s23 =	simm.s32 $0x1B8B  }
0xa8: {  	_ =	swait.ge [sflag:s23], $0x1  }
0xa9: {  	[sflag:s23] =	ssyncset.done $0x0  }
0xaa: {  	s25 =	simm.s32 $0x1B8E;
	s24 =	sld [smem:$0x3FFE];
	[sflag:s23] =	ssyncadd.s32 $0xFFFFFFFF  }
0xab: {  	s26 =	simm.s32 $execute0_lowered;
	[smem:$0x3FD2] =	sst s25  }
0xac: {  	s5 =	sshll.u32 s26, $0x1;
	_ =	strace $0x80000046;
	[dreg:$0x1] =	wrdreg $0xFFFFFFFF  }
0xad: {  	s28 =	simm.s32 $_size_execute0_lowered;
	s3 =	sadd.s32 s3, s5;
	[dreg:$0x0] =	wrdreg $0x0  }
0xae: {  	s5 =	sshll.u32 s28, $0x1;
	[dreg:$0x2] =	wrdreg s3  }
0xaf: {  	[dreg:$0x3] =	wrdreg s5  }
0xb0: {  	[dreg:$0x4] =	wrdreg $0xC0  }
0xb1: {  	_ =	task [dreg:s7], $0x5FFFF  }
0xb2: {  	[dreg:$0x1] =	wrdreg $0xFFFFFFFF  }
0xb3: {  	[dreg:$0x0] =	wrdreg $0x60  }
0xb4: {  	[dreg:$0x2] =	wrdreg s24  }
0xb5: {  	[dreg:$0x3] =	wrdreg s16  }
0xb6: {  	[dreg:$0x4] =	wrdreg $0x9  }
0xb7: {  	_ =	task.clear_ibuf [dreg:s7], $0x5FFFF;
	_ =	strace $0x90000046  }
0xb8: {  	s29 =	simm.s32 $0x9;
	_ =	strace $0x80000048  }
0xb9: {  	_ =	swait.ge [sflag:s29], $0x1  }
0xba: {  	[sflag:s29] =	ssyncadd.s32 $0xFFFFFFFF  }
0xbb: {  	_ =	strace $0x90000048  }
0xbc: {  	_ =	sfence  }
0xbd: {  	s30 =	sld [smem:$0x0];
	_ =	sdelay $0x2  }
0xbe: {  	s31 =	sshll.u32 s1, $0xD;
	s1 =	sshrl.u32 s1, $0x2  }
0xbf: {  	s3 =	sand.u32 $0x4000, s31;
	s1 =	sadd.s32 s1, s30  }
0xc0: {  	s0 =	sor.u32 s3, s0;
	s1 =	sshll.u32 s1, $0x11  }
0xc1: {  	s0 =	sor.u32 s1, s0  }
0xc2: {  	s0 =	sadd.s32 $0x8F2B, s0  }
0xc3: {  	[sflag:s0] =	ssyncadd.remote.s32 $0x1  }
0xc4: {  	_ =	sfence.sel $0xFFFF  }
0xc5: {  	[dreg:$0x0] =	wrdreg $0xFFFFFFFF;
	(pc) =	sbr.abs _section_cstart, $3  }
0xc6: {  	[dreg:$0x1] =	wrdreg $0xFFFFFFFF  }
0xc7: {  	_ =	task.clear_ibuf [dreg:s7], $0x2FFFF;
	_ =	strace $0x9FFFFFFF  }
0xc8: {  	(tm) =	ssettm $0x7FFFFFFF  }
0xc9: {  	_ =	shalt  }
tec
execute0_lowered:
.L_overlay_start_1:
0x0: {  	(tag) =	ssettag $0x1  }
0x1: {  	s4 =	rddreg [dreg:$0x0]  }
0x2: {  	s5 =	rddreg [dreg:$0x1]  }
0x3: {  	s0 =	rddreg [dreg:$0x2];
	s2 =	simm.s32 $0x0  }
0x4: {  	s1 =	stileid.u32;
	s3 =	srdreg.scid;
	s11 =	simm.s32 $0x0  }
0x5: {  	[smem:$0x7FF] =	sst s2;
	s6 =	sshll.u32 s1, $0x11;
	s7 =	sand.u32 $0x1, s3  }
0x6: {  	s3 =	sadd.s32 $0xFF600, s4;
	s9 =	sshll.u32 s1, $0xA;
	_ =	strace $0x80000047  }
0x7: {  	s6 =	sadd.s32 s6, s4;
	s30 =	ssub.s32 $0x2, s7;
	s10 =	sshll.u32 s7, $0x9  }
0x8: {  	s7 =	sshll.u32 s7, $0x10;
	s8 =	sshrl.u32 s30, $0x1;
	s31 =	sor.u32 s10, s9  }
0x9: {  	s6 =	sadd.s32 s7, s6;
	s7 =	simm.s32 $0x2;
	s9 =	simm.s32 $0x1000  }
0xa: {  	s10 =	simm.s32 $0x1;
	s8 =	ssub.s32 s30, s8;
	s4 =	sadd.s32 s5, s31  }
0xb: {  	s6 =	sadd.s32 $0x1FB600, s6;
	s5 =	smax.u32 s8, $0x1;
	s8 =	simm.s32 $0x80  }
.LBB2_1:
0xc: {  	[tilespmem:s2], [sflag:$0x2] =	stream.linear.gather [hbm4b:s4+s2], $0x1000, $0x38;
	[tilespmem:$0x5000] =	vst v63  }
0xd: {  	_ =	swait.ge [sflag:s7], $0x1000  }
0xe: {  	[sflag:s7] =	ssyncset.done $0x0  }
0xf: {  	s12 =	simm.s32 $0x0;
	[sflag:s7] =	ssyncadd.s32 $0xFFFFF000  }
0x10: {  	[tilespmem:s9], [sflag:$0x1] =	stream.indirect.gather [hbm4b:s3+s8], $0x80, s12, s8, $0xb8;
	[tilespmem:$0x5000] =	vst v63  }
0x11: {  	_ =	swait.ge [sflag:s10], $0x4000  }
0x12: {  	[sflag:s10] =	ssyncset.done $0x0  }
0x13: {  	[sflag:s10] =	ssyncadd.s32 $0xFFFFC000  }
0x14: {  	[hbm4b:s6+s2] =	stream.linear.scatter [tilespmem:s9], [sflag:$0x2], $0x4000, $0x38;
	[tilespmem:$0x5000] =	vst v63  }
0x15: {  	s13 =	simm.s32 $0x200;
	_ =	swait.ge [sflag:s7], $0x4000  }
0x16: {  	s14 =	simm.s32 $0x400;
	s12 =	sadd.s32 $0x800, s6;
	[sflag:s7] =	ssyncset.done $0x0  }
.LBB2_2:
0x17: {  	s15 =	sshra.s32 s13, $0x2  }
0x18: {  	[sflag:s7] =	ssyncadd.s32 $0xFFFFC000;
	s13 =	smov.u32 s14;
	s16 =	sadd.s32 $0x200, s14  }
0x19: {  	[tilespmem:s9], [sflag:$0x1] =	stream.indirect.gather [hbm4b:s3+s8], $0x80, s15, s8, $0xb8;
	[tilespmem:$0x5000] =	vst v63  }
0x1a: {  	p0 =	sne.s32 s14, $0x3E00;
	_ =	swait.ge [sflag:s10], $0x4000  }
.Ltmp0:
0x1b: {  	[sflag:s10] =	ssyncset.done $0x0;
	(pc) =	sbr.rel @p0 .LBB2_2-.Ltmp0, $4  }
0x1c: {  	[sflag:s10] =	ssyncadd.s32 $0xFFFFC000  }
0x1d: {  	[hbm4b:s12+s2] =	stream.linear.scatter [tilespmem:s9], [sflag:$0x2], $0x4000, $0x38;
	[tilespmem:$0x5000] =	vst v63  }
0x1e: {  	_ =	swait.ge [sflag:s7], $0x4000  }
0x1f: {  	s14 =	smov.u32 s16;
	s12 =	sadd.s32 $0x800, s12;
	[sflag:s7] =	ssyncset.done $0x0  }
0x20: {  	s13 =	sshra.s32 s13, $0x2;
	[sflag:s7] =	ssyncadd.s32 $0xFFFFC000  }
0x21: {  	[tilespmem:s9], [sflag:$0x1] =	stream.indirect.gather [hbm4b:s3+s8], $0x80, s13, s8, $0xb8;
	[tilespmem:$0x5000] =	vst v63  }
0x22: {  	s11 =	sadd.s32 $0x1, s11;
	_ =	swait.ge [sflag:s10], $0x4000  }
0x23: {  	p0 =	sne.s32 s11, s5;
	[sflag:s10] =	ssyncset.done $0x0  }
.Ltmp1:
0x24: {  	[sflag:s10] =	ssyncadd.s32 $0xFFFFC000;
	(pc) =	sbr.rel @p0 .LBB2_1-.Ltmp1, $4  }
0x25: {  	[hbm4b:s12+s2] =	stream.linear.scatter [tilespmem:s9], [sflag:$0x2], $0x4000, $0x38;
	[tilespmem:$0x5000] =	vst v63  }
0x26: {  	_ =	swait.ge [sflag:s7], $0x4000  }
0x27: {  	[sflag:s7] =	ssyncset.done $0x0  }
0x28: {  	[sflag:s7] =	ssyncadd.s32 $0xFFFFC000  }
0x29: {  	_ =	sfence.sel $0x180000  }
0x2a: {  	[bflag:$0x0] =	sbarrier.arrive $0xFFFF  }
0x2b: {  	p0 =	sne.s32 s1, $0x0;
	_ =	strace $0x90000047  }
0x2c: {  	s0 =	sadd.s32 @!p0 $0x100000, s0;
	[bflag:$0x2] =	sbarrier.arrive $0xFFFF  }
0x2d: {  	[sflag:s0] =	ssyncadd.tile.s32 @!p0 $0x1;
	_ =	shalt  }
.Lfunc_end2:
_tile_overlayer_lowered:
.L_overlay_start_2:
0x2e: {  	(tag) =	ssettag $0x2  }
0x2f: {  	s0 =	rddreg [dreg:$0x0];
	s2 =	stileid.u32  }
0x30: {  	s1 =	rddreg [dreg:$0x1];
	p0 =	sne.s32 s2, $0x0  }
0x31: {  	s3 =	rddreg [dreg:$0x2];
	[bflag:$0x3] =	sbarrier.arrive $0xFFFF;
	s2 =	simm.s32 @!p0 $0x1C02  }
0x32: {  	[timem:s3], [sflag:s2] =	dma.local @!p0 [hbm:s0], s1  }
0x33: {  	s0 =	simm.s32 @!p0 $0x2  }
0x34: {  	_ =	swait.ge @!p0 [sflag:s0], s1  }
0x35: {  	s1 =	ssub.s32 @!p0 $0x0, s1;
	[sflag:s0] =	ssyncset.done @!p0 $0x0  }
0x36: {  	[sflag:s0] =	ssyncadd.s32 @!p0 s1  }
0x37: {  	[bflag:$0x3] =	sbarrier.arrive $0xFFFF  }
0x38: {  	_ =	shalt  }

</sc_bundles>
